<compile_context>
chip_gen: v7x
topology: tpu7x:2x2x1
jax: 0.10.2.dev20260603
libtpu: 0.0.44.dev20260713+nightly
codegen_flags: <defaults>
</compile_context>

<pallas_src>
import functools

import jax
import jax.numpy as jnp
from jax import lax
from jax.experimental import pallas as pl
from jax.experimental.pallas import tpu as pltpu
from jax.experimental.pallas import tpu_sc as plsc

N_NODES = 10000
N_EDGES = 320000
HID = 128
T = 4

NPAD = 10240
ACC = 3 * NPAD
NC, NS, L = 2, 16, 16
EPW = N_EDGES // (NC * NS)
RSL = ACC // NS


def _sc_segment_sums(dst, w):
    mesh = plsc.VectorSubcoreMesh(core_axis_name="c", subcore_axis_name="s")

    @functools.partial(
        pl.kernel,
        mesh=mesh,
        out_type=jax.ShapeDtypeStruct((NC, ACC), jnp.float32),
        compiler_params=pltpu.CompilerParams(needs_layout_passes=False),
        scratch_types=[
            pltpu.VMEM((EPW,), jnp.int32),
            pltpu.VMEM((EPW,), jnp.float32),
            pltpu.VMEM((ACC,), jnp.float32),
            pltpu.VMEM((RSL,), jnp.float32),
            pltpu.VMEM_SHARED((NS, ACC), jnp.float32),
        ],
    )
    def body(dst_hbm, w_hbm, out_hbm, dst_v, w_v, acc_v, tmp_v, partials):
        cid = lax.axis_index("c")
        sid = lax.axis_index("s")
        gid = cid * NS + sid

        def zero(i, _):
            acc_v[pl.ds(i * L, L)] = jnp.zeros((L,), jnp.float32)
            return 0

        lax.fori_loop(0, ACC // L, zero, 0)

        base = gid * EPW
        pltpu.sync_copy(dst_hbm.at[pl.ds(base, EPW)], dst_v)
        pltpu.sync_copy(w_hbm.at[pl.ds(base, EPW)], w_v)

        ones = jnp.ones((L,), jnp.float32)

        def scatter(j, _):
            idx = dst_v[pl.ds(j * L, L)]
            wv = w_v[pl.ds(j * L, L)]
            plsc.addupdate_scatter(acc_v, [idx], ones)
            plsc.addupdate_scatter(acc_v, [idx + NPAD], jnp.maximum(wv, 0.0))
            plsc.addupdate_scatter(acc_v, [idx + 2 * NPAD], jnp.maximum(-wv, 0.0))
            return 0

        lax.fori_loop(0, EPW // L, scatter, 0)

        pltpu.sync_copy(acc_v, partials.at[sid])
        plsc.subcore_barrier()

        sbase = sid * RSL
        pltpu.sync_copy(partials.at[0, pl.ds(sbase, RSL)], tmp_v)

        def red(p, _):
            pltpu.sync_copy(partials.at[p, pl.ds(sbase, RSL)],
                            acc_v.at[pl.ds(0, RSL)])

            def addv(j, _):
                tmp_v[pl.ds(j * L, L)] = (
                    tmp_v[pl.ds(j * L, L)] + acc_v[pl.ds(j * L, L)]
                )
                return 0

            lax.fori_loop(0, RSL // L, addv, 0)
            return 0

        lax.fori_loop(1, NS, red, 0)
        pltpu.sync_copy(tmp_v, out_hbm.at[cid, pl.ds(sbase, RSL)])

    return body(dst, w)


RB = 2000


def _tc_dense(mu, x, deg, swp, swn, W1, W2, W3, W4, W7, w5a, w5b):

    def body(mu_ref, x_ref, deg_ref, swp_ref, swn_ref, W1_ref, W2_ref,
             W3_ref, W4_ref, W7_ref, w5b_ref, out_ref, pool_ref):
        m = mu_ref[...]
        xc = x_ref[...]
        degc = deg_ref[...]
        swpc = swp_ref[...]
        swnc = swn_ref[...]
        for i in range(T):
            w4 = W4_ref[i]
            rp = jnp.dot(jnp.maximum(w4, 0.0), W3_ref[i],
                         preferred_element_type=jnp.float32)
            rn = jnp.dot(jnp.maximum(-w4, 0.0), W3_ref[i],
                         preferred_element_type=jnp.float32)
            b = xc * W1_ref[i] + swpc * rp + swnc * rn
            mm = jnp.dot(m, W2_ref[i], preferred_element_type=jnp.float32)
            m = jnp.maximum(degc * mm + b, 0.0)
        psum = jnp.sum(m, axis=0, keepdims=True)

        @pl.when(pl.program_id(0) == 0)
        def _():
            pool_ref[...] = jnp.zeros_like(pool_ref)

        pool_ref[...] += psum
        nv = jnp.maximum(
            jnp.dot(m, W7_ref[...], preferred_element_type=jnp.float32), 0.0)
        out_ref[...] = jnp.dot(nv, w5b_ref[...],
                               preferred_element_type=jnp.float32)

    nb = N_NODES // RB
    col = pl.BlockSpec((RB, 1), lambda i: (i, 0))
    pout, pool = pl.pallas_call(
        body,
        grid=(nb,),
        in_specs=[
            pl.BlockSpec((RB, HID), lambda i: (i, 0)),
            col, col, col, col,
            pl.BlockSpec((T, 1, HID), lambda i: (0, 0, 0)),
            pl.BlockSpec((T, HID, HID), lambda i: (0, 0, 0)),
            pl.BlockSpec((T, HID, HID), lambda i: (0, 0, 0)),
            pl.BlockSpec((T, 1, HID), lambda i: (0, 0, 0)),
            pl.BlockSpec((HID, HID), lambda i: (0, 0)),
            pl.BlockSpec((HID, 1), lambda i: (0, 0)),
        ],
        out_specs=[
            pl.BlockSpec((RB, 1), lambda i: (i, 0)),
            pl.BlockSpec((1, HID), lambda i: (0, 0)),
        ],
        out_shape=[
            jax.ShapeDtypeStruct((N_NODES, 1), jnp.float32),
            jax.ShapeDtypeStruct((1, HID), jnp.float32),
        ],
    )(mu, x, deg, swp, swn, W1, W2, W3, W4, W7, w5b)

    def fix_body(pout_ref, pool_ref, w5a_ref, out_ref):
        s = jnp.sum(jnp.maximum(pool_ref[...], 0.0) * w5a_ref[...])
        out_ref[...] = pout_ref[...] + s

    return pl.pallas_call(
        fix_body,
        out_shape=jax.ShapeDtypeStruct((N_NODES, 1), jnp.float32),
    )(pout, pool, w5a)


def kernel(mu, x, edge_index, edge_w, W1, W2, W3, W4, W5, W7):
    dst = edge_index[1].astype(jnp.int32)
    w = edge_w[:, 0].astype(jnp.float32)

    partials = _sc_segment_sums(dst, w)
    tot = partials[0] + partials[1]
    deg = tot[:N_NODES][:, None]
    swp = tot[NPAD:NPAD + N_NODES][:, None]
    swn = tot[2 * NPAD:2 * NPAD + N_NODES][:, None]

    w5a = W5[:HID, 0][None, :]
    w5b = W5[HID:]

    out = _tc_dense(mu, x, deg, swp, swn, W1, W2, W3, W4, W7, w5a, w5b)
    return out[:, 0]

# --- scband reference (transcript-rebuilt; emitter-appended) ---
"""Pipeline reference for scband-q-fun-26946624815494 (READ-ONLY COPY).

The authoritative reference and input builder live on the scoring server;
editing this copy changes nothing except your own understanding.
"""

import jax, jax.numpy as jnp
import numpy as np

N_NODES = 10000
N_EDGES = 320000
IN_DIM = 128
HID = 128
T = 4


def setup_inputs(seed: int = 0) -> dict:
    key = jax.random.key(seed)
    ks = jax.random.split(key, 16)
    mu = jax.random.normal(ks[0], (N_NODES, IN_DIM), dtype=jnp.float32)
    x = jax.random.normal(ks[1], (N_NODES, 1), dtype=jnp.float32)
    edge_index = jax.random.randint(ks[2], (2, N_EDGES), 0, N_NODES, dtype=jnp.int64)
    edge_w = jax.random.uniform(ks[3], (N_EDGES, 1), dtype=jnp.float32)
    # S2V stacked weights: layer 0 has in_dim=IN_DIM (==HID here), layers 1..T-1 have in_dim=HID
    W1 = jax.random.normal(ks[4], (T, 1, HID), dtype=jnp.float32) * 0.05
    W2 = jax.random.normal(ks[5], (T, HID, HID), dtype=jnp.float32) * 0.05
    W3 = jax.random.normal(ks[6], (T, HID, HID), dtype=jnp.float32) * 0.05
    W4 = jax.random.normal(ks[7], (T, 1, HID), dtype=jnp.float32) * 0.05
    W5 = jax.random.normal(ks[8], (2 * HID, 1), dtype=jnp.float32) * 0.05
    W7 = jax.random.normal(ks[9], (HID, HID), dtype=jnp.float32) * 0.05
    return {"mu": mu, "x": x, "edge_index": edge_index, "edge_w": edge_w,
            "W1": W1, "W2": W2, "W3": W3, "W4": W4, "W5": W5, "W7": W7}


def reference(mu, x, edge_index, edge_w, W1, W2, W3, W4, W5, W7):
    N = mu.shape[0]
    dst = edge_index[1, :]
    for i in range(T):
        xl = x @ W1[i]                                   # lin1(x)
        mu_j = mu[dst, :]                                # gather by dst
        mu_aggr = jax.ops.segment_sum(mu_j, dst, num_segments=N)  # scatter_add
        mu_aggr = mu_aggr @ W2[i]                        # lin2
        ew = jax.nn.relu(edge_w @ W4[i])                 # relu(lin4(edge_w))
        ew_aggr = jax.ops.segment_sum(ew, dst, num_segments=N)
        ew_aggr = ew_aggr @ W3[i]                        # lin3
        mu = jax.nn.relu(xl + mu_aggr + ew_aggr)
    nodes_vec = mu @ W7                                  # lin7
    graph_pool = jnp.sum(mu, axis=0, keepdims=True)
    graph_pool = jnp.tile(graph_pool, (N, 1))
    cat = jnp.concatenate([graph_pool, nodes_vec], axis=1)
    return (jax.nn.relu(cat) @ W5).squeeze()

if __name__ == "__main__":
    import jax
    _d = setup_inputs()
    print(jax.jit(kernel)(*tuple(_d.values())))

</pallas_src>

<mosaic_0001>
#map = affine_map<(d0, d1) -> (0)>
#map1 = affine_map<(d0, d1) -> (0, 0)>
module attributes {stable_mosaic.version = 14 : i64} {
  func.func @body(%arg0: i32, %arg1: i32, %arg2: memref<320000xi32, #tpu.memory_space<hbm>>, %arg3: memref<320000xf32, #tpu.memory_space<hbm>>, %arg4: memref<2x30720xf32, #tpu.memory_space<hbm>>, %arg5: memref<10000xi32, #tpu.memory_space<vmem>>, %arg6: memref<10000xf32, #tpu.memory_space<vmem>>, %arg7: memref<30720xf32, #tpu.memory_space<vmem>>, %arg8: memref<1920xf32, #tpu.memory_space<vmem>>, %arg9: memref<16x30720xf32, #tpu.memory_space<vmem_shared>>) attributes {dimension_semantics = [#tpu.dimension_semantics<core_parallel>, #tpu.dimension_semantics<subcore_parallel>], iteration_bounds = array<i64: 2, 16>, scalar_prefetch = 0 : i64, scratch_operands = 5 : i64, tpu.core_type = #tpu.core_type<sc_vector_subcore>, window_params = [{transform_indices = #map}, {transform_indices = #map}, {transform_indices = #map1}]} {
    %mul3A = arith.constant 16 : i32
    %mul3A_0 = arith.muli %arg0, %mul3A : i32
    %add3A = arith.addi %mul3A_0, %arg1 : i32
    %scan3A = arith.constant 0 : i32
    %scan3A_1 = arith.constant 0 : i32
    %scan3A_2 = arith.constant 1920 : i32
    %scan3A_3 = arith.addi %scan3A_1, %scan3A_2 : i32
    %scan3A_4 = arith.constant 1 : i32
    %scan3A_5 = scf.for %scan3A_26 = %scan3A_1 to %scan3A_3 step %scan3A_4 iter_args(%scan3A_27 = %scan3A) -> (i32)  : i32 {
      %broadcast_in_dim3A_28 = arith.constant 0.000000e+00 : f32
      %broadcast_in_dim3A_29 = vector.broadcast %broadcast_in_dim3A_28 : f32 to vector<16xf32>
      %mul3A_30 = arith.constant 16 : i32
      %mul3A_31 = arith.muli %scan3A_26, %mul3A_30 : i32
      %swap3A = arith.index_cast %mul3A_31 : i32 to index
      %swap3A_32 = tpu.vector_load %arg7[%swap3A] {strides = array<i32>} : memref<30720xf32, #tpu.memory_space<vmem>>, vector<16xf32>,
      tpu.vector_store %arg7[%swap3A], %broadcast_in_dim3A_29 {strides = array<i32>} : memref<30720xf32, #tpu.memory_space<vmem>>, vector<16xf32>,
      %scan3A_33 = arith.constant 0 : i32
      scf.yield %scan3A_33 : i32
    }
    %scan3A_6 = arith.constant 1920 : i32
    %mul3A_7 = arith.constant 10000 : i32
    %mul3A_8 = arith.muli %add3A, %mul3A_7 : i32
    "tpu.region"() ({
      %run_scoped3A_26 = tpu.sem_alloc : memref<!tpu.dma_semaphore, #tpu.memory_space<semaphore_mem>>
      %dma_start3A = tpu.memref_slice %arg2[%mul3A_8] : memref<320000xi32, #tpu.memory_space<hbm>> -> memref<10000xi32, #tpu.memory_space<hbm>>
      %dma_start3A_27 = tpu.memref_slice %arg2[%mul3A_8] : memref<320000xi32, #tpu.memory_space<hbm>> -> memref<10000xi32, #tpu.memory_space<hbm>>
      tpu.enqueue_dma source(%dma_start3A_27 : memref<10000xi32, #tpu.memory_space<hbm>>) target(%arg5 : memref<10000xi32, #tpu.memory_space<vmem>>) target_semaphore(%run_scoped3A_26 : memref<!tpu.dma_semaphore, #tpu.memory_space<semaphore_mem>>)
      %dma_wait3A = tpu.memref_slice %arg2[%mul3A_8] : memref<320000xi32, #tpu.memory_space<hbm>> -> memref<10000xi32, #tpu.memory_space<hbm>>
      %dma_wait3A_28 = tpu.memref_slice %arg2[%mul3A_8] : memref<320000xi32, #tpu.memory_space<hbm>> -> memref<10000xi32, #tpu.memory_space<hbm>>
      tpu.wait_dma2 semaphore(%run_scoped3A_26 : memref<!tpu.dma_semaphore, #tpu.memory_space<semaphore_mem>>) src(%dma_wait3A_28 : memref<10000xi32, #tpu.memory_space<hbm>>) dst(%arg5 : memref<10000xi32, #tpu.memory_space<vmem>>)
      tpu.yield
    }) : () -> ()
    "tpu.region"() ({
      %run_scoped3A_26 = tpu.sem_alloc : memref<!tpu.dma_semaphore, #tpu.memory_space<semaphore_mem>>
      %dma_start3A = tpu.memref_slice %arg3[%mul3A_8] : memref<320000xf32, #tpu.memory_space<hbm>> -> memref<10000xf32, #tpu.memory_space<hbm>>
      %dma_start3A_27 = tpu.memref_slice %arg3[%mul3A_8] : memref<320000xf32, #tpu.memory_space<hbm>> -> memref<10000xf32, #tpu.memory_space<hbm>>
      tpu.enqueue_dma source(%dma_start3A_27 : memref<10000xf32, #tpu.memory_space<hbm>>) target(%arg6 : memref<10000xf32, #tpu.memory_space<vmem>>) target_semaphore(%run_scoped3A_26 : memref<!tpu.dma_semaphore, #tpu.memory_space<semaphore_mem>>)
      %dma_wait3A = tpu.memref_slice %arg3[%mul3A_8] : memref<320000xf32, #tpu.memory_space<hbm>> -> memref<10000xf32, #tpu.memory_space<hbm>>
      %dma_wait3A_28 = tpu.memref_slice %arg3[%mul3A_8] : memref<320000xf32, #tpu.memory_space<hbm>> -> memref<10000xf32, #tpu.memory_space<hbm>>
      tpu.wait_dma2 semaphore(%run_scoped3A_26 : memref<!tpu.dma_semaphore, #tpu.memory_space<semaphore_mem>>) src(%dma_wait3A_28 : memref<10000xf32, #tpu.memory_space<hbm>>) dst(%arg6 : memref<10000xf32, #tpu.memory_space<vmem>>)
      tpu.yield
    }) : () -> ()
    %broadcast_in_dim3A = arith.constant 1.000000e+00 : f32
    %broadcast_in_dim3A_9 = vector.broadcast %broadcast_in_dim3A : f32 to vector<16xf32>
    %scan3A_10 = arith.constant 0 : i32
    %scan3A_11 = arith.constant 0 : i32
    %scan3A_12 = arith.constant 625 : i32
    %scan3A_13 = arith.addi %scan3A_11, %scan3A_12 : i32
    %scan3A_14 = arith.constant 1 : i32
    %scan3A_15 = scf.for %scan3A_26 = %scan3A_11 to %scan3A_13 step %scan3A_14 iter_args(%scan3A_27 = %scan3A_10) -> (i32)  : i32 {
      %mul3A_28 = arith.constant 16 : i32
      %mul3A_29 = arith.muli %scan3A_26, %mul3A_28 : i32
      %get3A = arith.index_cast %mul3A_29 : i32 to index
      %get3A_30 = tpu.vector_load %arg5[%get3A] {strides = array<i32>} : memref<10000xi32, #tpu.memory_space<vmem>>, vector<16xi32>,
      %mul3A_31 = arith.constant 16 : i32
      %mul3A_32 = arith.muli %scan3A_26, %mul3A_31 : i32
      %get3A_33 = arith.index_cast %mul3A_32 : i32 to index
      %get3A_34 = tpu.vector_load %arg6[%get3A_33] {strides = array<i32>} : memref<10000xf32, #tpu.memory_space<vmem>>, vector<16xf32>,
      tpu.vector_store_idx %arg7[%get3A_30], %broadcast_in_dim3A_9 {add = true} : memref<30720xf32, #tpu.memory_space<vmem>>[vector<16xi32>], vector<16xf32>,
      %add3A_35 = arith.constant 10240 : i32
      %add3A_36 = vector.broadcast %add3A_35 : i32 to vector<16xi32>
      %add3A_37 = arith.addi %get3A_30, %add3A_36 : vector<16xi32>
      %max3A = arith.constant 0.000000e+00 : f32
      %max3A_38 = vector.broadcast %max3A : f32 to vector<16xf32>
      %max3A_39 = arith.maximumf %get3A_34, %max3A_38 : vector<16xf32>
      tpu.vector_store_idx %arg7[%add3A_37], %max3A_39 {add = true} : memref<30720xf32, #tpu.memory_space<vmem>>[vector<16xi32>], vector<16xf32>,
      %add3A_40 = arith.constant 20480 : i32
      %add3A_41 = vector.broadcast %add3A_40 : i32 to vector<16xi32>
      %add3A_42 = arith.addi %get3A_30, %add3A_41 : vector<16xi32>
      %neg3A = arith.constant 0.000000e+00 : f32
      %neg3A_43 = vector.broadcast %neg3A : f32 to vector<16xf32>
      %neg3A_44 = arith.subf %neg3A_43, %get3A_34 : vector<16xf32>
      %max3A_45 = arith.constant 0.000000e+00 : f32
      %max3A_46 = vector.broadcast %max3A_45 : f32 to vector<16xf32>
      %max3A_47 = arith.maximumf %neg3A_44, %max3A_46 : vector<16xf32>
      tpu.vector_store_idx %arg7[%add3A_42], %max3A_47 {add = true} : memref<30720xf32, #tpu.memory_space<vmem>>[vector<16xi32>], vector<16xf32>,
      %scan3A_48 = arith.constant 0 : i32
      scf.yield %scan3A_48 : i32
    }
    %scan3A_16 = arith.constant 625 : i32
    "tpu.region"() ({
      %run_scoped3A_26 = tpu.sem_alloc : memref<!tpu.dma_semaphore, #tpu.memory_space<semaphore_mem>>
      %dma_start3A = arith.constant 0 : i32
      %dma_start3A_27 = tpu.memref_slice %arg9[%arg1, %dma_start3A] : memref<16x30720xf32, #tpu.memory_space<vmem_shared>> -> memref<1x30720xf32, #tpu.memory_space<vmem_shared>>
      %dma_start3A_28 = tpu.memref_squeeze %dma_start3A_27 : memref<1x30720xf32, #tpu.memory_space<vmem_shared>> -> memref<30720xf32, #tpu.memory_space<vmem_shared>>
      %dma_start3A_29 = arith.constant 0 : i32
      %dma_start3A_30 = tpu.memref_slice %arg9[%arg1, %dma_start3A_29] : memref<16x30720xf32, #tpu.memory_space<vmem_shared>> -> memref<1x30720xf32, #tpu.memory_space<vmem_shared>>
      %dma_start3A_31 = tpu.memref_squeeze %dma_start3A_30 : memref<1x30720xf32, #tpu.memory_space<vmem_shared>> -> memref<30720xf32, #tpu.memory_space<vmem_shared>>
      tpu.enqueue_dma source(%arg7 : memref<30720xf32, #tpu.memory_space<vmem>>) target(%dma_start3A_31 : memref<30720xf32, #tpu.memory_space<vmem_shared>>) target_semaphore(%run_scoped3A_26 : memref<!tpu.dma_semaphore, #tpu.memory_space<semaphore_mem>>)
      %dma_wait3A = arith.constant 0 : i32
      %dma_wait3A_32 = tpu.memref_slice %arg9[%arg1, %dma_wait3A] : memref<16x30720xf32, #tpu.memory_space<vmem_shared>> -> memref<1x30720xf32, #tpu.memory_space<vmem_shared>>
      %dma_wait3A_33 = tpu.memref_squeeze %dma_wait3A_32 : memref<1x30720xf32, #tpu.memory_space<vmem_shared>> -> memref<30720xf32, #tpu.memory_space<vmem_shared>>
      %dma_wait3A_34 = arith.constant 0 : i32
      %dma_wait3A_35 = tpu.memref_slice %arg9[%arg1, %dma_wait3A_34] : memref<16x30720xf32, #tpu.memory_space<vmem_shared>> -> memref<1x30720xf32, #tpu.memory_space<vmem_shared>>
      %dma_wait3A_36 = tpu.memref_squeeze %dma_wait3A_35 : memref<1x30720xf32, #tpu.memory_space<vmem_shared>> -> memref<30720xf32, #tpu.memory_space<vmem_shared>>
      tpu.wait_dma2 semaphore(%run_scoped3A_26 : memref<!tpu.dma_semaphore, #tpu.memory_space<semaphore_mem>>) src(%arg7 : memref<30720xf32, #tpu.memory_space<vmem>>) dst(%dma_wait3A_36 : memref<30720xf32, #tpu.memory_space<vmem_shared>>)
      tpu.yield
    }) : () -> ()
    %barrier3A = arith.constant 0 : index
    tpu.barrier barrier_id(%barrier3A)
    %mul3A_17 = arith.constant 1920 : i32
    %mul3A_18 = arith.muli %arg1, %mul3A_17 : i32
    %run_scoped3A = arith.constant 0 : i32
    "tpu.region"() ({
      %run_scoped3A_26 = tpu.sem_alloc : memref<!tpu.dma_semaphore, #tpu.memory_space<semaphore_mem>>
      %dma_start3A = tpu.memref_slice %arg9[%run_scoped3A, %mul3A_18] : memref<16x30720xf32, #tpu.memory_space<vmem_shared>> -> memref<1x1920xf32, #tpu.memory_space<vmem_shared>>
      %dma_start3A_27 = tpu.memref_squeeze %dma_start3A : memref<1x1920xf32, #tpu.memory_space<vmem_shared>> -> memref<1920xf32, #tpu.memory_space<vmem_shared>>
      %dma_start3A_28 = tpu.memref_slice %arg9[%run_scoped3A, %mul3A_18] : memref<16x30720xf32, #tpu.memory_space<vmem_shared>> -> memref<1x1920xf32, #tpu.memory_space<vmem_shared>>
      %dma_start3A_29 = tpu.memref_squeeze %dma_start3A_28 : memref<1x1920xf32, #tpu.memory_space<vmem_shared>> -> memref<1920xf32, #tpu.memory_space<vmem_shared>>
      tpu.enqueue_dma source(%dma_start3A_29 : memref<1920xf32, #tpu.memory_space<vmem_shared>>) target(%arg8 : memref<1920xf32, #tpu.memory_space<vmem>>) target_semaphore(%run_scoped3A_26 : memref<!tpu.dma_semaphore, #tpu.memory_space<semaphore_mem>>)
      %dma_wait3A = tpu.memref_slice %arg9[%run_scoped3A, %mul3A_18] : memref<16x30720xf32, #tpu.memory_space<vmem_shared>> -> memref<1x1920xf32, #tpu.memory_space<vmem_shared>>
      %dma_wait3A_30 = tpu.memref_squeeze %dma_wait3A : memref<1x1920xf32, #tpu.memory_space<vmem_shared>> -> memref<1920xf32, #tpu.memory_space<vmem_shared>>
      %dma_wait3A_31 = tpu.memref_slice %arg9[%run_scoped3A, %mul3A_18] : memref<16x30720xf32, #tpu.memory_space<vmem_shared>> -> memref<1x1920xf32, #tpu.memory_space<vmem_shared>>
      %dma_wait3A_32 = tpu.memref_squeeze %dma_wait3A_31 : memref<1x1920xf32, #tpu.memory_space<vmem_shared>> -> memref<1920xf32, #tpu.memory_space<vmem_shared>>
      tpu.wait_dma2 semaphore(%run_scoped3A_26 : memref<!tpu.dma_semaphore, #tpu.memory_space<semaphore_mem>>) src(%dma_wait3A_32 : memref<1920xf32, #tpu.memory_space<vmem_shared>>) dst(%arg8 : memref<1920xf32, #tpu.memory_space<vmem>>)
      tpu.yield
    }) : () -> ()
    %scan3A_19 = arith.constant 0 : i32
    %scan3A_20 = arith.constant 1 : i32
    %scan3A_21 = arith.constant 15 : i32
    %scan3A_22 = arith.addi %scan3A_20, %scan3A_21 : i32
    %scan3A_23 = arith.constant 1 : i32
    %scan3A_24 = scf.for %scan3A_26 = %scan3A_20 to %scan3A_22 step %scan3A_23 iter_args(%scan3A_27 = %scan3A_19) -> (i32)  : i32 {
      "tpu.region"() ({
        %run_scoped3A_36 = tpu.sem_alloc : memref<!tpu.dma_semaphore, #tpu.memory_space<semaphore_mem>>
        %dma_start3A = arith.constant 0 : i32
        %dma_start3A_37 = tpu.memref_slice %arg7[%dma_start3A] : memref<30720xf32, #tpu.memory_space<vmem>> -> memref<1920xf32, #tpu.memory_space<vmem>>
        %dma_start3A_38 = tpu.memref_slice %arg9[%scan3A_26, %mul3A_18] : memref<16x30720xf32, #tpu.memory_space<vmem_shared>> -> memref<1x1920xf32, #tpu.memory_space<vmem_shared>>
        %dma_start3A_39 = tpu.memref_squeeze %dma_start3A_38 : memref<1x1920xf32, #tpu.memory_space<vmem_shared>> -> memref<1920xf32, #tpu.memory_space<vmem_shared>>
        %dma_start3A_40 = arith.constant 0 : i32
        %dma_start3A_41 = tpu.memref_slice %arg7[%dma_start3A_40] : memref<30720xf32, #tpu.memory_space<vmem>> -> memref<1920xf32, #tpu.memory_space<vmem>>
        %dma_start3A_42 = tpu.memref_slice %arg9[%scan3A_26, %mul3A_18] : memref<16x30720xf32, #tpu.memory_space<vmem_shared>> -> memref<1x1920xf32, #tpu.memory_space<vmem_shared>>
        %dma_start3A_43 = tpu.memref_squeeze %dma_start3A_42 : memref<1x1920xf32, #tpu.memory_space<vmem_shared>> -> memref<1920xf32, #tpu.memory_space<vmem_shared>>
        tpu.enqueue_dma source(%dma_start3A_43 : memref<1920xf32, #tpu.memory_space<vmem_shared>>) target(%dma_start3A_41 : memref<1920xf32, #tpu.memory_space<vmem>>) target_semaphore(%run_scoped3A_36 : memref<!tpu.dma_semaphore, #tpu.memory_space<semaphore_mem>>)
        %dma_wait3A = arith.constant 0 : i32
        %dma_wait3A_44 = tpu.memref_slice %arg7[%dma_wait3A] : memref<30720xf32, #tpu.memory_space<vmem>> -> memref<1920xf32, #tpu.memory_space<vmem>>
        %dma_wait3A_45 = tpu.memref_slice %arg9[%scan3A_26, %mul3A_18] : memref<16x30720xf32, #tpu.memory_space<vmem_shared>> -> memref<1x1920xf32, #tpu.memory_space<vmem_shared>>
        %dma_wait3A_46 = tpu.memref_squeeze %dma_wait3A_45 : memref<1x1920xf32, #tpu.memory_space<vmem_shared>> -> memref<1920xf32, #tpu.memory_space<vmem_shared>>
        %dma_wait3A_47 = arith.constant 0 : i32
        %dma_wait3A_48 = tpu.memref_slice %arg7[%dma_wait3A_47] : memref<30720xf32, #tpu.memory_space<vmem>> -> memref<1920xf32, #tpu.memory_space<vmem>>
        %dma_wait3A_49 = tpu.memref_slice %arg9[%scan3A_26, %mul3A_18] : memref<16x30720xf32, #tpu.memory_space<vmem_shared>> -> memref<1x1920xf32, #tpu.memory_space<vmem_shared>>
        %dma_wait3A_50 = tpu.memref_squeeze %dma_wait3A_49 : memref<1x1920xf32, #tpu.memory_space<vmem_shared>> -> memref<1920xf32, #tpu.memory_space<vmem_shared>>
        tpu.wait_dma2 semaphore(%run_scoped3A_36 : memref<!tpu.dma_semaphore, #tpu.memory_space<semaphore_mem>>) src(%dma_wait3A_50 : memref<1920xf32, #tpu.memory_space<vmem_shared>>) dst(%dma_wait3A_48 : memref<1920xf32, #tpu.memory_space<vmem>>)
        tpu.yield
      }) : () -> ()
      %scan3A_28 = arith.constant 0 : i32
      %scan3A_29 = arith.constant 0 : i32
      %scan3A_30 = arith.constant 120 : i32
      %scan3A_31 = arith.addi %scan3A_29, %scan3A_30 : i32
      %scan3A_32 = arith.constant 1 : i32
      %scan3A_33 = scf.for %scan3A_36 = %scan3A_29 to %scan3A_31 step %scan3A_32 iter_args(%scan3A_37 = %scan3A_28) -> (i32)  : i32 {
        %mul3A_38 = arith.constant 16 : i32
        %mul3A_39 = arith.muli %scan3A_36, %mul3A_38 : i32
        %get3A = arith.index_cast %mul3A_39 : i32 to index
        %get3A_40 = tpu.vector_load %arg8[%get3A] {strides = array<i32>} : memref<1920xf32, #tpu.memory_space<vmem>>, vector<16xf32>,
        %mul3A_41 = arith.constant 16 : i32
        %mul3A_42 = arith.muli %scan3A_36, %mul3A_41 : i32
        %get3A_43 = arith.index_cast %mul3A_42 : i32 to index
        %get3A_44 = tpu.vector_load %arg7[%get3A_43] {strides = array<i32>} : memref<30720xf32, #tpu.memory_space<vmem>>, vector<16xf32>,
        %add3A_45 = arith.addf %get3A_40, %get3A_44 : vector<16xf32>
        %mul3A_46 = arith.constant 16 : i32
        %mul3A_47 = arith.muli %scan3A_36, %mul3A_46 : i32
        %swap3A = arith.index_cast %mul3A_47 : i32 to index
        %swap3A_48 = tpu.vector_load %arg8[%swap3A] {strides = array<i32>} : memref<1920xf32, #tpu.memory_space<vmem>>, vector<16xf32>,
        tpu.vector_store %arg8[%swap3A], %add3A_45 {strides = array<i32>} : memref<1920xf32, #tpu.memory_space<vmem>>, vector<16xf32>,
        %scan3A_49 = arith.constant 0 : i32
        scf.yield %scan3A_49 : i32
      }
      %scan3A_34 = arith.constant 120 : i32
      %scan3A_35 = arith.constant 0 : i32
      scf.yield %scan3A_35 : i32
    }
    %scan3A_25 = arith.constant 15 : i32
    "tpu.region"() ({
      %run_scoped3A_26 = tpu.sem_alloc : memref<!tpu.dma_semaphore, #tpu.memory_space<semaphore_mem>>
      %dma_start3A = tpu.memref_slice %arg4[%arg0, %mul3A_18] : memref<2x30720xf32, #tpu.memory_space<hbm>> -> memref<1x1920xf32, #tpu.memory_space<hbm>>
      %dma_start3A_27 = tpu.memref_squeeze %dma_start3A : memref<1x1920xf32, #tpu.memory_space<hbm>> -> memref<1920xf32, #tpu.memory_space<hbm>>
      %dma_start3A_28 = tpu.memref_slice %arg4[%arg0, %mul3A_18] : memref<2x30720xf32, #tpu.memory_space<hbm>> -> memref<1x1920xf32, #tpu.memory_space<hbm>>
      %dma_start3A_29 = tpu.memref_squeeze %dma_start3A_28 : memref<1x1920xf32, #tpu.memory_space<hbm>> -> memref<1920xf32, #tpu.memory_space<hbm>>
      tpu.enqueue_dma source(%arg8 : memref<1920xf32, #tpu.memory_space<vmem>>) target(%dma_start3A_29 : memref<1920xf32, #tpu.memory_space<hbm>>) target_semaphore(%run_scoped3A_26 : memref<!tpu.dma_semaphore, #tpu.memory_space<semaphore_mem>>)
      %dma_wait3A = tpu.memref_slice %arg4[%arg0, %mul3A_18] : memref<2x30720xf32, #tpu.memory_space<hbm>> -> memref<1x1920xf32, #tpu.memory_space<hbm>>
      %dma_wait3A_30 = tpu.memref_squeeze %dma_wait3A : memref<1x1920xf32, #tpu.memory_space<hbm>> -> memref<1920xf32, #tpu.memory_space<hbm>>
      %dma_wait3A_31 = tpu.memref_slice %arg4[%arg0, %mul3A_18] : memref<2x30720xf32, #tpu.memory_space<hbm>> -> memref<1x1920xf32, #tpu.memory_space<hbm>>
      %dma_wait3A_32 = tpu.memref_squeeze %dma_wait3A_31 : memref<1x1920xf32, #tpu.memory_space<hbm>> -> memref<1920xf32, #tpu.memory_space<hbm>>
      tpu.wait_dma2 semaphore(%run_scoped3A_26 : memref<!tpu.dma_semaphore, #tpu.memory_space<semaphore_mem>>) src(%arg8 : memref<1920xf32, #tpu.memory_space<vmem>>) dst(%dma_wait3A_32 : memref<1920xf32, #tpu.memory_space<hbm>>)
      tpu.yield
    }) : () -> ()
    return
  }
}

module attributes {stable_mosaic.version = 14 : i64} {
  func.func @body(%arg0: i32, %arg1: memref<2000x128xf32, #tpu.memory_space<vmem>>, %arg2: memref<2000x1xf32, #tpu.memory_space<vmem>>, %arg3: memref<2000x1xf32, #tpu.memory_space<vmem>>, %arg4: memref<2000x1xf32, #tpu.memory_space<vmem>>, %arg5: memref<2000x1xf32, #tpu.memory_space<vmem>>, %arg6: memref<4x1x128xf32, #tpu.memory_space<vmem>>, %arg7: memref<4x128x128xf32, #tpu.memory_space<vmem>>, %arg8: memref<4x128x128xf32, #tpu.memory_space<vmem>>, %arg9: memref<4x1x128xf32, #tpu.memory_space<vmem>>, %arg10: memref<128x128xf32, #tpu.memory_space<vmem>>, %arg11: memref<128x1xf32, #tpu.memory_space<vmem>>, %arg12: memref<2000x1xf32, #tpu.memory_space<vmem>>, %arg13: memref<1x128xf32, #tpu.memory_space<vmem>>) attributes {dimension_semantics = [#tpu.dimension_semantics<arbitrary>], iteration_bounds = array<i64: 5>, scalar_prefetch = 0 : i64, scratch_operands = 0 : i64, tpu.core_type = #tpu.core_type<tc>, window_params = [{transform_indices = @transform_0, window_bounds = array<i64: 2000, 128>}, {transform_indices = @transform_1, window_bounds = array<i64: 2000, 1>}, {transform_indices = @transform_2, window_bounds = array<i64: 2000, 1>}, {transform_indices = @transform_3, window_bounds = array<i64: 2000, 1>}, {transform_indices = @transform_4, window_bounds = array<i64: 2000, 1>}, {pipeline_mode = #tpu.pipeline_mode<synchronous>, transform_indices = @transform_5, window_bounds = array<i64: 4, 1, 128>}, {pipeline_mode = #tpu.pipeline_mode<synchronous>, transform_indices = @transform_6, window_bounds = array<i64: 4, 128, 128>}, {pipeline_mode = #tpu.pipeline_mode<synchronous>, transform_indices = @transform_7, window_bounds = array<i64: 4, 128, 128>}, {pipeline_mode = #tpu.pipeline_mode<synchronous>, transform_indices = @transform_8, window_bounds = array<i64: 4, 1, 128>}, {pipeline_mode = #tpu.pipeline_mode<synchronous>, transform_indices = @transform_9, window_bounds = array<i64: 128, 128>}, {pipeline_mode = #tpu.pipeline_mode<synchronous>, transform_indices = @transform_10, window_bounds = array<i64: 128, 1>}, {transform_indices = @transform_11, window_bounds = array<i64: 2000, 1>}, {pipeline_mode = #tpu.pipeline_mode<synchronous>, transform_indices = @transform_12, window_bounds = array<i64: 1, 128>}]} {
    %get3A = arith.constant 0 : index
    %get3A_0 = arith.constant 0 : index
    %get3A_1 = vector.load %arg1[%get3A, %get3A_0] : memref<2000x128xf32, #tpu.memory_space<vmem>>, vector<2000x128xf32>
    %get3A_2 = arith.constant 0 : index
    %get3A_3 = arith.constant 0 : index
    %get3A_4 = vector.load %arg2[%get3A_2, %get3A_3] : memref<2000x1xf32, #tpu.memory_space<vmem>>, vector<2000x1xf32>
    %get3A_5 = arith.constant 0 : index
    %get3A_6 = arith.constant 0 : index
    %get3A_7 = vector.load %arg3[%get3A_5, %get3A_6] : memref<2000x1xf32, #tpu.memory_space<vmem>>, vector<2000x1xf32>
    %get3A_8 = arith.constant 0 : index
    %get3A_9 = arith.constant 0 : index
    %get3A_10 = vector.load %arg4[%get3A_8, %get3A_9] : memref<2000x1xf32, #tpu.memory_space<vmem>>, vector<2000x1xf32>
    %get3A_11 = arith.constant 0 : index
    %get3A_12 = arith.constant 0 : index
    %get3A_13 = vector.load %arg5[%get3A_11, %get3A_12] : memref<2000x1xf32, #tpu.memory_space<vmem>>, vector<2000x1xf32>
    %get3A_14 = arith.constant 0 : index
    %get3A_15 = arith.constant 0 : index
    %get3A_16 = arith.constant 0 : index
    %get3A_17 = vector.load %arg9[%get3A_14, %get3A_15, %get3A_16] : memref<4x1x128xf32, #tpu.memory_space<vmem>>, vector<1x1x128xf32>
    %get3A_18 = vector.shape_cast %get3A_17 : vector<1x1x128xf32> to vector<1x128xf32>
    %max3A = arith.constant 0.000000e+00 : f32
    %max3A_19 = vector.broadcast %max3A : f32 to vector<1x128xf32>
    %max3A_20 = arith.maximumf %get3A_18, %max3A_19 : vector<1x128xf32>
    %get3A_21 = arith.constant 0 : index
    %get3A_22 = arith.constant 0 : index
    %get3A_23 = arith.constant 0 : index
    %get3A_24 = vector.load %arg8[%get3A_21, %get3A_22, %get3A_23] : memref<4x128x128xf32, #tpu.memory_space<vmem>>, vector<1x128x128xf32>
    %get3A_25 = vector.shape_cast %get3A_24 : vector<1x128x128xf32> to vector<128x128xf32>
    %dot_general3A = arith.constant dense<0.000000e+00> : vector<1x128xf32>
    %dot_general3A_26 = tpu.matmul %max3A_20, %get3A_25, %dot_general3A {dimension_numbers = #tpu.dot_dimension_numbers<[1], [0], [0], [1], [0, 0, 1, 1], [], []>, transpose_lhs_hint = false} : vector<1x128xf32>, vector<128x128xf32>, vector<1x128xf32> -> vector<1x128xf32>
    %neg3A = arith.constant 0.000000e+00 : f32
    %neg3A_27 = vector.broadcast %neg3A : f32 to vector<1x128xf32>
    %neg3A_28 = arith.subf %neg3A_27, %get3A_18 : vector<1x128xf32>
    %max3A_29 = arith.constant 0.000000e+00 : f32
    %max3A_30 = vector.broadcast %max3A_29 : f32 to vector<1x128xf32>
    %max3A_31 = arith.maximumf %neg3A_28, %max3A_30 : vector<1x128xf32>
    %get3A_32 = arith.constant 0 : index
    %get3A_33 = arith.constant 0 : index
    %get3A_34 = arith.constant 0 : index
    %get3A_35 = vector.load %arg8[%get3A_32, %get3A_33, %get3A_34] : memref<4x128x128xf32, #tpu.memory_space<vmem>>, vector<1x128x128xf32>
    %get3A_36 = vector.shape_cast %get3A_35 : vector<1x128x128xf32> to vector<128x128xf32>
    %dot_general3A_37 = arith.constant dense<0.000000e+00> : vector<1x128xf32>
    %dot_general3A_38 = tpu.matmul %max3A_31, %get3A_36, %dot_general3A_37 {dimension_numbers = #tpu.dot_dimension_numbers<[1], [0], [0], [1], [0, 0, 1, 1], [], []>, transpose_lhs_hint = false} : vector<1x128xf32>, vector<128x128xf32>, vector<1x128xf32> -> vector<1x128xf32>
    %get3A_39 = arith.constant 0 : index
    %get3A_40 = arith.constant 0 : index
    %get3A_41 = arith.constant 0 : index
    %get3A_42 = vector.load %arg6[%get3A_39, %get3A_40, %get3A_41] : memref<4x1x128xf32, #tpu.memory_space<vmem>>, vector<1x1x128xf32>
    %get3A_43 = vector.shape_cast %get3A_42 : vector<1x1x128xf32> to vector<1x128xf32>
    %mul3A = vector.broadcast %get3A_4 : vector<2000x1xf32> to vector<2000x128xf32>
    %mul3A_44 = vector.broadcast %get3A_43 : vector<1x128xf32> to vector<2000x128xf32>
    %mul3A_45 = arith.mulf %mul3A, %mul3A_44 : vector<2000x128xf32>
    %mul3A_46 = vector.broadcast %get3A_10 : vector<2000x1xf32> to vector<2000x128xf32>
    %mul3A_47 = vector.broadcast %dot_general3A_26 : vector<1x128xf32> to vector<2000x128xf32>
    %mul3A_48 = arith.mulf %mul3A_46, %mul3A_47 : vector<2000x128xf32>
    %add3A = arith.addf %mul3A_45, %mul3A_48 : vector<2000x128xf32>
    %mul3A_49 = vector.broadcast %get3A_13 : vector<2000x1xf32> to vector<2000x128xf32>
    %mul3A_50 = vector.broadcast %dot_general3A_38 : vector<1x128xf32> to vector<2000x128xf32>
    %mul3A_51 = arith.mulf %mul3A_49, %mul3A_50 : vector<2000x128xf32>
    %add3A_52 = arith.addf %add3A, %mul3A_51 : vector<2000x128xf32>
    %get3A_53 = arith.constant 0 : index
    %get3A_54 = arith.constant 0 : index
    %get3A_55 = arith.constant 0 : index
    %get3A_56 = vector.load %arg7[%get3A_53, %get3A_54, %get3A_55] : memref<4x128x128xf32, #tpu.memory_space<vmem>>, vector<1x128x128xf32>
    %get3A_57 = vector.shape_cast %get3A_56 : vector<1x128x128xf32> to vector<128x128xf32>
    %dot_general3A_58 = arith.constant dense<0.000000e+00> : vector<2000x128xf32>
    %dot_general3A_59 = tpu.matmul %get3A_1, %get3A_57, %dot_general3A_58 {dimension_numbers = #tpu.dot_dimension_numbers<[1], [0], [0], [1], [0, 0, 1, 1], [], []>, transpose_lhs_hint = false} : vector<2000x128xf32>, vector<128x128xf32>, vector<2000x128xf32> -> vector<2000x128xf32>
    %mul3A_60 = vector.broadcast %get3A_7 : vector<2000x1xf32> to vector<2000x128xf32>
    %mul3A_61 = arith.mulf %mul3A_60, %dot_general3A_59 : vector<2000x128xf32>
    %add3A_62 = arith.addf %mul3A_61, %add3A_52 : vector<2000x128xf32>
    %max3A_63 = arith.constant 0.000000e+00 : f32
    %max3A_64 = vector.broadcast %max3A_63 : f32 to vector<2000x128xf32>
    %max3A_65 = arith.maximumf %add3A_62, %max3A_64 : vector<2000x128xf32>
    %get3A_66 = arith.constant 1 : index
    %get3A_67 = arith.constant 0 : index
    %get3A_68 = arith.constant 0 : index
    %get3A_69 = vector.load %arg9[%get3A_66, %get3A_67, %get3A_68] : memref<4x1x128xf32, #tpu.memory_space<vmem>>, vector<1x1x128xf32>
    %get3A_70 = vector.shape_cast %get3A_69 : vector<1x1x128xf32> to vector<1x128xf32>
    %max3A_71 = arith.constant 0.000000e+00 : f32
    %max3A_72 = vector.broadcast %max3A_71 : f32 to vector<1x128xf32>
    %max3A_73 = arith.maximumf %get3A_70, %max3A_72 : vector<1x128xf32>
    %get3A_74 = arith.constant 1 : index
    %get3A_75 = arith.constant 0 : index
    %get3A_76 = arith.constant 0 : index
    %get3A_77 = vector.load %arg8[%get3A_74, %get3A_75, %get3A_76] : memref<4x128x128xf32, #tpu.memory_space<vmem>>, vector<1x128x128xf32>
    %get3A_78 = vector.shape_cast %get3A_77 : vector<1x128x128xf32> to vector<128x128xf32>
    %dot_general3A_79 = arith.constant dense<0.000000e+00> : vector<1x128xf32>
    %dot_general3A_80 = tpu.matmul %max3A_73, %get3A_78, %dot_general3A_79 {dimension_numbers = #tpu.dot_dimension_numbers<[1], [0], [0], [1], [0, 0, 1, 1], [], []>, transpose_lhs_hint = false} : vector<1x128xf32>, vector<128x128xf32>, vector<1x128xf32> -> vector<1x128xf32>
    %neg3A_81 = arith.constant 0.000000e+00 : f32
    %neg3A_82 = vector.broadcast %neg3A_81 : f32 to vector<1x128xf32>
    %neg3A_83 = arith.subf %neg3A_82, %get3A_70 : vector<1x128xf32>
    %max3A_84 = arith.constant 0.000000e+00 : f32
    %max3A_85 = vector.broadcast %max3A_84 : f32 to vector<1x128xf32>
    %max3A_86 = arith.maximumf %neg3A_83, %max3A_85 : vector<1x128xf32>
    %get3A_87 = arith.constant 1 : index
    %get3A_88 = arith.constant 0 : index
    %get3A_89 = arith.constant 0 : index
    %get3A_90 = vector.load %arg8[%get3A_87, %get3A_88, %get3A_89] : memref<4x128x128xf32, #tpu.memory_space<vmem>>, vector<1x128x128xf32>
    %get3A_91 = vector.shape_cast %get3A_90 : vector<1x128x128xf32> to vector<128x128xf32>
    %dot_general3A_92 = arith.constant dense<0.000000e+00> : vector<1x128xf32>
    %dot_general3A_93 = tpu.matmul %max3A_86, %get3A_91, %dot_general3A_92 {dimension_numbers = #tpu.dot_dimension_numbers<[1], [0], [0], [1], [0, 0, 1, 1], [], []>, transpose_lhs_hint = false} : vector<1x128xf32>, vector<128x128xf32>, vector<1x128xf32> -> vector<1x128xf32>
    %get3A_94 = arith.constant 1 : index
    %get3A_95 = arith.constant 0 : index
    %get3A_96 = arith.constant 0 : index
    %get3A_97 = vector.load %arg6[%get3A_94, %get3A_95, %get3A_96] : memref<4x1x128xf32, #tpu.memory_space<vmem>>, vector<1x1x128xf32>
    %get3A_98 = vector.shape_cast %get3A_97 : vector<1x1x128xf32> to vector<1x128xf32>
    %mul3A_99 = vector.broadcast %get3A_4 : vector<2000x1xf32> to vector<2000x128xf32>
    %mul3A_100 = vector.broadcast %get3A_98 : vector<1x128xf32> to vector<2000x128xf32>
    %mul3A_101 = arith.mulf %mul3A_99, %mul3A_100 : vector<2000x128xf32>
    %mul3A_102 = vector.broadcast %get3A_10 : vector<2000x1xf32> to vector<2000x128xf32>
    %mul3A_103 = vector.broadcast %dot_general3A_80 : vector<1x128xf32> to vector<2000x128xf32>
    %mul3A_104 = arith.mulf %mul3A_102, %mul3A_103 : vector<2000x128xf32>
    %add3A_105 = arith.addf %mul3A_101, %mul3A_104 : vector<2000x128xf32>
    %mul3A_106 = vector.broadcast %get3A_13 : vector<2000x1xf32> to vector<2000x128xf32>
    %mul3A_107 = vector.broadcast %dot_general3A_93 : vector<1x128xf32> to vector<2000x128xf32>
    %mul3A_108 = arith.mulf %mul3A_106, %mul3A_107 : vector<2000x128xf32>
    %add3A_109 = arith.addf %add3A_105, %mul3A_108 : vector<2000x128xf32>
    %get3A_110 = arith.constant 1 : index
    %get3A_111 = arith.constant 0 : index
    %get3A_112 = arith.constant 0 : index
    %get3A_113 = vector.load %arg7[%get3A_110, %get3A_111, %get3A_112] : memref<4x128x128xf32, #tpu.memory_space<vmem>>, vector<1x128x128xf32>
    %get3A_114 = vector.shape_cast %get3A_113 : vector<1x128x128xf32> to vector<128x128xf32>
    %dot_general3A_115 = arith.constant dense<0.000000e+00> : vector<2000x128xf32>
    %dot_general3A_116 = tpu.matmul %max3A_65, %get3A_114, %dot_general3A_115 {dimension_numbers = #tpu.dot_dimension_numbers<[1], [0], [0], [1], [0, 0, 1, 1], [], []>, transpose_lhs_hint = false} : vector<2000x128xf32>, vector<128x128xf32>, vector<2000x128xf32> -> vector<2000x128xf32>
    %mul3A_117 = vector.broadcast %get3A_7 : vector<2000x1xf32> to vector<2000x128xf32>
    %mul3A_118 = arith.mulf %mul3A_117, %dot_general3A_116 : vector<2000x128xf32>
    %add3A_119 = arith.addf %mul3A_118, %add3A_109 : vector<2000x128xf32>
    %max3A_120 = arith.constant 0.000000e+00 : f32
    %max3A_121 = vector.broadcast %max3A_120 : f32 to vector<2000x128xf32>
    %max3A_122 = arith.maximumf %add3A_119, %max3A_121 : vector<2000x128xf32>
    %get3A_123 = arith.constant 2 : index
    %get3A_124 = arith.constant 0 : index
    %get3A_125 = arith.constant 0 : index
    %get3A_126 = vector.load %arg9[%get3A_123, %get3A_124, %get3A_125] : memref<4x1x128xf32, #tpu.memory_space<vmem>>, vector<1x1x128xf32>
    %get3A_127 = vector.shape_cast %get3A_126 : vector<1x1x128xf32> to vector<1x128xf32>
    %max3A_128 = arith.constant 0.000000e+00 : f32
    %max3A_129 = vector.broadcast %max3A_128 : f32 to vector<1x128xf32>
    %max3A_130 = arith.maximumf %get3A_127, %max3A_129 : vector<1x128xf32>
    %get3A_131 = arith.constant 2 : index
    %get3A_132 = arith.constant 0 : index
    %get3A_133 = arith.constant 0 : index
    %get3A_134 = vector.load %arg8[%get3A_131, %get3A_132, %get3A_133] : memref<4x128x128xf32, #tpu.memory_space<vmem>>, vector<1x128x128xf32>
    %get3A_135 = vector.shape_cast %get3A_134 : vector<1x128x128xf32> to vector<128x128xf32>
    %dot_general3A_136 = arith.constant dense<0.000000e+00> : vector<1x128xf32>
    %dot_general3A_137 = tpu.matmul %max3A_130, %get3A_135, %dot_general3A_136 {dimension_numbers = #tpu.dot_dimension_numbers<[1], [0], [0], [1], [0, 0, 1, 1], [], []>, transpose_lhs_hint = false} : vector<1x128xf32>, vector<128x128xf32>, vector<1x128xf32> -> vector<1x128xf32>
    %neg3A_138 = arith.constant 0.000000e+00 : f32
    %neg3A_139 = vector.broadcast %neg3A_138 : f32 to vector<1x128xf32>
    %neg3A_140 = arith.subf %neg3A_139, %get3A_127 : vector<1x128xf32>
    %max3A_141 = arith.constant 0.000000e+00 : f32
    %max3A_142 = vector.broadcast %max3A_141 : f32 to vector<1x128xf32>
    %max3A_143 = arith.maximumf %neg3A_140, %max3A_142 : vector<1x128xf32>
    %get3A_144 = arith.constant 2 : index
    %get3A_145 = arith.constant 0 : index
    %get3A_146 = arith.constant 0 : index
    %get3A_147 = vector.load %arg8[%get3A_144, %get3A_145, %get3A_146] : memref<4x128x128xf32, #tpu.memory_space<vmem>>, vector<1x128x128xf32>
    %get3A_148 = vector.shape_cast %get3A_147 : vector<1x128x128xf32> to vector<128x128xf32>
    %dot_general3A_149 = arith.constant dense<0.000000e+00> : vector<1x128xf32>
    %dot_general3A_150 = tpu.matmul %max3A_143, %get3A_148, %dot_general3A_149 {dimension_numbers = #tpu.dot_dimension_numbers<[1], [0], [0], [1], [0, 0, 1, 1], [], []>, transpose_lhs_hint = false} : vector<1x128xf32>, vector<128x128xf32>, vector<1x128xf32> -> vector<1x128xf32>
    %get3A_151 = arith.constant 2 : index
    %get3A_152 = arith.constant 0 : index
    %get3A_153 = arith.constant 0 : index
    %get3A_154 = vector.load %arg6[%get3A_151, %get3A_152, %get3A_153] : memref<4x1x128xf32, #tpu.memory_space<vmem>>, vector<1x1x128xf32>
    %get3A_155 = vector.shape_cast %get3A_154 : vector<1x1x128xf32> to vector<1x128xf32>
    %mul3A_156 = vector.broadcast %get3A_4 : vector<2000x1xf32> to vector<2000x128xf32>
    %mul3A_157 = vector.broadcast %get3A_155 : vector<1x128xf32> to vector<2000x128xf32>
    %mul3A_158 = arith.mulf %mul3A_156, %mul3A_157 : vector<2000x128xf32>
    %mul3A_159 = vector.broadcast %get3A_10 : vector<2000x1xf32> to vector<2000x128xf32>
    %mul3A_160 = vector.broadcast %dot_general3A_137 : vector<1x128xf32> to vector<2000x128xf32>
    %mul3A_161 = arith.mulf %mul3A_159, %mul3A_160 : vector<2000x128xf32>
    %add3A_162 = arith.addf %mul3A_158, %mul3A_161 : vector<2000x128xf32>
    %mul3A_163 = vector.broadcast %get3A_13 : vector<2000x1xf32> to vector<2000x128xf32>
    %mul3A_164 = vector.broadcast %dot_general3A_150 : vector<1x128xf32> to vector<2000x128xf32>
    %mul3A_165 = arith.mulf %mul3A_163, %mul3A_164 : vector<2000x128xf32>
    %add3A_166 = arith.addf %add3A_162, %mul3A_165 : vector<2000x128xf32>
    %get3A_167 = arith.constant 2 : index
    %get3A_168 = arith.constant 0 : index
    %get3A_169 = arith.constant 0 : index
    %get3A_170 = vector.load %arg7[%get3A_167, %get3A_168, %get3A_169] : memref<4x128x128xf32, #tpu.memory_space<vmem>>, vector<1x128x128xf32>
    %get3A_171 = vector.shape_cast %get3A_170 : vector<1x128x128xf32> to vector<128x128xf32>
    %dot_general3A_172 = arith.constant dense<0.000000e+00> : vector<2000x128xf32>
    %dot_general3A_173 = tpu.matmul %max3A_122, %get3A_171, %dot_general3A_172 {dimension_numbers = #tpu.dot_dimension_numbers<[1], [0], [0], [1], [0, 0, 1, 1], [], []>, transpose_lhs_hint = false} : vector<2000x128xf32>, vector<128x128xf32>, vector<2000x128xf32> -> vector<2000x128xf32>
    %mul3A_174 = vector.broadcast %get3A_7 : vector<2000x1xf32> to vector<2000x128xf32>
    %mul3A_175 = arith.mulf %mul3A_174, %dot_general3A_173 : vector<2000x128xf32>
    %add3A_176 = arith.addf %mul3A_175, %add3A_166 : vector<2000x128xf32>
    %max3A_177 = arith.constant 0.000000e+00 : f32
    %max3A_178 = vector.broadcast %max3A_177 : f32 to vector<2000x128xf32>
    %max3A_179 = arith.maximumf %add3A_176, %max3A_178 : vector<2000x128xf32>
    %get3A_180 = arith.constant 3 : index
    %get3A_181 = arith.constant 0 : index
    %get3A_182 = arith.constant 0 : index
    %get3A_183 = vector.load %arg9[%get3A_180, %get3A_181, %get3A_182] : memref<4x1x128xf32, #tpu.memory_space<vmem>>, vector<1x1x128xf32>
    %get3A_184 = vector.shape_cast %get3A_183 : vector<1x1x128xf32> to vector<1x128xf32>
    %max3A_185 = arith.constant 0.000000e+00 : f32
    %max3A_186 = vector.broadcast %max3A_185 : f32 to vector<1x128xf32>
    %max3A_187 = arith.maximumf %get3A_184, %max3A_186 : vector<1x128xf32>
    %get3A_188 = arith.constant 3 : index
    %get3A_189 = arith.constant 0 : index
    %get3A_190 = arith.constant 0 : index
    %get3A_191 = vector.load %arg8[%get3A_188, %get3A_189, %get3A_190] : memref<4x128x128xf32, #tpu.memory_space<vmem>>, vector<1x128x128xf32>
    %get3A_192 = vector.shape_cast %get3A_191 : vector<1x128x128xf32> to vector<128x128xf32>
    %dot_general3A_193 = arith.constant dense<0.000000e+00> : vector<1x128xf32>
    %dot_general3A_194 = tpu.matmul %max3A_187, %get3A_192, %dot_general3A_193 {dimension_numbers = #tpu.dot_dimension_numbers<[1], [0], [0], [1], [0, 0, 1, 1], [], []>, transpose_lhs_hint = false} : vector<1x128xf32>, vector<128x128xf32>, vector<1x128xf32> -> vector<1x128xf32>
    %neg3A_195 = arith.constant 0.000000e+00 : f32
    %neg3A_196 = vector.broadcast %neg3A_195 : f32 to vector<1x128xf32>
    %neg3A_197 = arith.subf %neg3A_196, %get3A_184 : vector<1x128xf32>
    %max3A_198 = arith.constant 0.000000e+00 : f32
    %max3A_199 = vector.broadcast %max3A_198 : f32 to vector<1x128xf32>
    %max3A_200 = arith.maximumf %neg3A_197, %max3A_199 : vector<1x128xf32>
    %get3A_201 = arith.constant 3 : index
    %get3A_202 = arith.constant 0 : index
    %get3A_203 = arith.constant 0 : index
    %get3A_204 = vector.load %arg8[%get3A_201, %get3A_202, %get3A_203] : memref<4x128x128xf32, #tpu.memory_space<vmem>>, vector<1x128x128xf32>
    %get3A_205 = vector.shape_cast %get3A_204 : vector<1x128x128xf32> to vector<128x128xf32>
    %dot_general3A_206 = arith.constant dense<0.000000e+00> : vector<1x128xf32>
    %dot_general3A_207 = tpu.matmul %max3A_200, %get3A_205, %dot_general3A_206 {dimension_numbers = #tpu.dot_dimension_numbers<[1], [0], [0], [1], [0, 0, 1, 1], [], []>, transpose_lhs_hint = false} : vector<1x128xf32>, vector<128x128xf32>, vector<1x128xf32> -> vector<1x128xf32>
    %get3A_208 = arith.constant 3 : index
    %get3A_209 = arith.constant 0 : index
    %get3A_210 = arith.constant 0 : index
    %get3A_211 = vector.load %arg6[%get3A_208, %get3A_209, %get3A_210] : memref<4x1x128xf32, #tpu.memory_space<vmem>>, vector<1x1x128xf32>
    %get3A_212 = vector.shape_cast %get3A_211 : vector<1x1x128xf32> to vector<1x128xf32>
    %mul3A_213 = vector.broadcast %get3A_4 : vector<2000x1xf32> to vector<2000x128xf32>
    %mul3A_214 = vector.broadcast %get3A_212 : vector<1x128xf32> to vector<2000x128xf32>
    %mul3A_215 = arith.mulf %mul3A_213, %mul3A_214 : vector<2000x128xf32>
    %mul3A_216 = vector.broadcast %get3A_10 : vector<2000x1xf32> to vector<2000x128xf32>
    %mul3A_217 = vector.broadcast %dot_general3A_194 : vector<1x128xf32> to vector<2000x128xf32>
    %mul3A_218 = arith.mulf %mul3A_216, %mul3A_217 : vector<2000x128xf32>
    %add3A_219 = arith.addf %mul3A_215, %mul3A_218 : vector<2000x128xf32>
    %mul3A_220 = vector.broadcast %get3A_13 : vector<2000x1xf32> to vector<2000x128xf32>
    %mul3A_221 = vector.broadcast %dot_general3A_207 : vector<1x128xf32> to vector<2000x128xf32>
    %mul3A_222 = arith.mulf %mul3A_220, %mul3A_221 : vector<2000x128xf32>
    %add3A_223 = arith.addf %add3A_219, %mul3A_222 : vector<2000x128xf32>
    %get3A_224 = arith.constant 3 : index
    %get3A_225 = arith.constant 0 : index
    %get3A_226 = arith.constant 0 : index
    %get3A_227 = vector.load %arg7[%get3A_224, %get3A_225, %get3A_226] : memref<4x128x128xf32, #tpu.memory_space<vmem>>, vector<1x128x128xf32>
    %get3A_228 = vector.shape_cast %get3A_227 : vector<1x128x128xf32> to vector<128x128xf32>
    %dot_general3A_229 = arith.constant dense<0.000000e+00> : vector<2000x128xf32>
    %dot_general3A_230 = tpu.matmul %max3A_179, %get3A_228, %dot_general3A_229 {dimension_numbers = #tpu.dot_dimension_numbers<[1], [0], [0], [1], [0, 0, 1, 1], [], []>, transpose_lhs_hint = false} : vector<2000x128xf32>, vector<128x128xf32>, vector<2000x128xf32> -> vector<2000x128xf32>
    %mul3A_231 = vector.broadcast %get3A_7 : vector<2000x1xf32> to vector<2000x128xf32>
    %mul3A_232 = arith.mulf %mul3A_231, %dot_general3A_230 : vector<2000x128xf32>
    %add3A_233 = arith.addf %mul3A_232, %add3A_223 : vector<2000x128xf32>
    %max3A_234 = arith.constant 0.000000e+00 : f32
    %max3A_235 = vector.broadcast %max3A_234 : f32 to vector<2000x128xf32>
    %max3A_236 = arith.maximumf %add3A_233, %max3A_235 : vector<2000x128xf32>
    %reduce_sum3A = arith.constant dense<0.000000e+00> : vector<128xf32>
    %reduce_sum3A_237 = vector.multi_reduction <add>, %max3A_236, %reduce_sum3A [0] : vector<2000x128xf32> to vector<128xf32>
    %broadcast_in_dim3A = vector.shape_cast %reduce_sum3A_237 : vector<128xf32> to vector<1x128xf32>
    %eq3A = arith.constant 0 : i32
    %eq3A_238 = arith.cmpi eq, %arg0, %eq3A : i32
    %convert_element_type3A = arith.extui %eq3A_238 : i1 to i32
    %cond3A = arith.constant 0 : i32
    %cond3A_239 = arith.cmpi ne, %convert_element_type3A, %cond3A : i32
    scf.if %cond3A_239 {
      %broadcast_in_dim3A_262 = arith.constant 0.000000e+00 : f32
      %broadcast_in_dim3A_263 = vector.broadcast %broadcast_in_dim3A_262 : f32 to vector<1x128xf32>
      %swap3A_264 = arith.constant 0 : index
      %swap3A_265 = arith.constant 0 : index
      %swap3A_266 = vector.load %arg13[%swap3A_264, %swap3A_265] : memref<1x128xf32, #tpu.memory_space<vmem>>, vector<1x128xf32>
      tpu.vector_store %arg13[%swap3A_264, %swap3A_265], %broadcast_in_dim3A_263 {strides = array<i32>} : memref<1x128xf32, #tpu.memory_space<vmem>>, vector<1x128xf32>,
    } else {
    }
    %get3A_240 = arith.constant 0 : index
    %get3A_241 = arith.constant 0 : index
    %get3A_242 = vector.load %arg13[%get3A_240, %get3A_241] : memref<1x128xf32, #tpu.memory_space<vmem>>, vector<1x128xf32>
    %add3A_243 = arith.addf %get3A_242, %broadcast_in_dim3A : vector<1x128xf32>
    %swap3A = arith.constant 0 : index
    %swap3A_244 = arith.constant 0 : index
    %swap3A_245 = vector.load %arg13[%swap3A, %swap3A_244] : memref<1x128xf32, #tpu.memory_space<vmem>>, vector<1x128xf32>
    tpu.vector_store %arg13[%swap3A, %swap3A_244], %add3A_243 {strides = array<i32>} : memref<1x128xf32, #tpu.memory_space<vmem>>, vector<1x128xf32>,
    %get3A_246 = arith.constant 0 : index
    %get3A_247 = arith.constant 0 : index
    %get3A_248 = vector.load %arg10[%get3A_246, %get3A_247] : memref<128x128xf32, #tpu.memory_space<vmem>>, vector<128x128xf32>
    %dot_general3A_249 = arith.constant dense<0.000000e+00> : vector<2000x128xf32>
    %dot_general3A_250 = tpu.matmul %max3A_236, %get3A_248, %dot_general3A_249 {dimension_numbers = #tpu.dot_dimension_numbers<[1], [0], [0], [1], [0, 0, 1, 1], [], []>, transpose_lhs_hint = false} : vector<2000x128xf32>, vector<128x128xf32>, vector<2000x128xf32> -> vector<2000x128xf32>
    %max3A_251 = arith.constant 0.000000e+00 : f32
    %max3A_252 = vector.broadcast %max3A_251 : f32 to vector<2000x128xf32>
    %max3A_253 = arith.maximumf %dot_general3A_250, %max3A_252 : vector<2000x128xf32>
    %get3A_254 = arith.constant 0 : index
    %get3A_255 = arith.constant 0 : index
    %get3A_256 = vector.load %arg11[%get3A_254, %get3A_255] : memref<128x1xf32, #tpu.memory_space<vmem>>, vector<128x1xf32>
    %dot_general3A_257 = arith.constant dense<0.000000e+00> : vector<2000x1xf32>
    %dot_general3A_258 = tpu.matmul %max3A_253, %get3A_256, %dot_general3A_257 {dimension_numbers = #tpu.dot_dimension_numbers<[1], [0], [0], [1], [0, 0, 1, 1], [], []>, transpose_lhs_hint = false} : vector<2000x128xf32>, vector<128x1xf32>, vector<2000x1xf32> -> vector<2000x1xf32>
    %swap3A_259 = arith.constant 0 : index
    %swap3A_260 = arith.constant 0 : index
    %swap3A_261 = vector.load %arg12[%swap3A_259, %swap3A_260] : memref<2000x1xf32, #tpu.memory_space<vmem>>, vector<2000x1xf32>
    tpu.vector_store %arg12[%swap3A_259, %swap3A_260], %dot_general3A_258 {strides = array<i32>} : memref<2000x1xf32, #tpu.memory_space<vmem>>, vector<2000x1xf32>,
    return
  }
  func.func @transform_0(%arg0: i32) -> (i32, i32) {
    %c0_i32 = arith.constant 0 : i32
    %c0_i32_0 = arith.constant 0 : i32
    return %arg0, %c0_i32 : i32, i32
  }
  func.func @transform_1(%arg0: i32) -> (i32, i32) {
    %c0_i32 = arith.constant 0 : i32
    %c0_i32_0 = arith.constant 0 : i32
    return %arg0, %c0_i32 : i32, i32
  }
  func.func @transform_2(%arg0: i32) -> (i32, i32) {
    %c0_i32 = arith.constant 0 : i32
    %c0_i32_0 = arith.constant 0 : i32
    return %arg0, %c0_i32 : i32, i32
  }
  func.func @transform_3(%arg0: i32) -> (i32, i32) {
    %c0_i32 = arith.constant 0 : i32
    %c0_i32_0 = arith.constant 0 : i32
    return %arg0, %c0_i32 : i32, i32
  }
  func.func @transform_4(%arg0: i32) -> (i32, i32) {
    %c0_i32 = arith.constant 0 : i32
    %c0_i32_0 = arith.constant 0 : i32
    return %arg0, %c0_i32 : i32, i32
  }
  func.func @transform_5(%arg0: i32) -> (i32, i32, i32) {
    %c0_i32 = arith.constant 0 : i32
    %c0_i32_0 = arith.constant 0 : i32
    %c0_i32_1 = arith.constant 0 : i32
    %c0_i32_2 = arith.constant 0 : i32
    return %c0_i32, %c0_i32_0, %c0_i32_1 : i32, i32, i32
  }
  func.func @transform_6(%arg0: i32) -> (i32, i32, i32) {
    %c0_i32 = arith.constant 0 : i32
    %c0_i32_0 = arith.constant 0 : i32
    %c0_i32_1 = arith.constant 0 : i32
    %c0_i32_2 = arith.constant 0 : i32
    return %c0_i32, %c0_i32_0, %c0_i32_1 : i32, i32, i32
  }
  func.func @transform_7(%arg0: i32) -> (i32, i32, i32) {
    %c0_i32 = arith.constant 0 : i32
    %c0_i32_0 = arith.constant 0 : i32
    %c0_i32_1 = arith.constant 0 : i32
    %c0_i32_2 = arith.constant 0 : i32
    return %c0_i32, %c0_i32_0, %c0_i32_1 : i32, i32, i32
  }
  func.func @transform_8(%arg0: i32) -> (i32, i32, i32) {
    %c0_i32 = arith.constant 0 : i32
    %c0_i32_0 = arith.constant 0 : i32
    %c0_i32_1 = arith.constant 0 : i32
    %c0_i32_2 = arith.constant 0 : i32
    return %c0_i32, %c0_i32_0, %c0_i32_1 : i32, i32, i32
  }
  func.func @transform_9(%arg0: i32) -> (i32, i32) {
    %c0_i32 = arith.constant 0 : i32
    %c0_i32_0 = arith.constant 0 : i32
    %c0_i32_1 = arith.constant 0 : i32
    return %c0_i32, %c0_i32_0 : i32, i32
  }
  func.func @transform_10(%arg0: i32) -> (i32, i32) {
    %c0_i32 = arith.constant 0 : i32
    %c0_i32_0 = arith.constant 0 : i32
    %c0_i32_1 = arith.constant 0 : i32
    return %c0_i32, %c0_i32_0 : i32, i32
  }
  func.func @transform_11(%arg0: i32) -> (i32, i32) {
    %c0_i32 = arith.constant 0 : i32
    %c0_i32_0 = arith.constant 0 : i32
    return %arg0, %c0_i32 : i32, i32
  }
  func.func @transform_12(%arg0: i32) -> (i32, i32) {
    %c0_i32 = arith.constant 0 : i32
    %c0_i32_0 = arith.constant 0 : i32
    %c0_i32_1 = arith.constant 0 : i32
    return %c0_i32, %c0_i32_0 : i32, i32
  }
}

module attributes {stable_mosaic.version = 14 : i64} {
  func.func @fix_body(%arg0: memref<10000x1xf32, #tpu.memory_space<vmem>>, %arg1: memref<1x128xf32, #tpu.memory_space<vmem>>, %arg2: memref<1x128xf32, #tpu.memory_space<vmem>>, %arg3: memref<10000x1xf32, #tpu.memory_space<vmem>>) attributes {dimension_semantics = [], scalar_prefetch = 0 : i64, scratch_operands = 0 : i64, tpu.core_type = #tpu.core_type<tc>} {
    %get3A = arith.constant 0 : index
    %get3A_0 = arith.constant 0 : index
    %get3A_1 = vector.load %arg1[%get3A, %get3A_0] : memref<1x128xf32, #tpu.memory_space<vmem>>, vector<1x128xf32>
    %max3A = arith.constant 0.000000e+00 : f32
    %max3A_2 = vector.broadcast %max3A : f32 to vector<1x128xf32>
    %max3A_3 = arith.maximumf %get3A_1, %max3A_2 : vector<1x128xf32>
    %get3A_4 = arith.constant 0 : index
    %get3A_5 = arith.constant 0 : index
    %get3A_6 = vector.load %arg2[%get3A_4, %get3A_5] : memref<1x128xf32, #tpu.memory_space<vmem>>, vector<1x128xf32>
    %mul3A = arith.mulf %max3A_3, %get3A_6 : vector<1x128xf32>
    %reduce_sum3A = vector.shape_cast %mul3A : vector<1x128xf32> to vector<1x1x128xf32>
    %reduce_sum3A_7 = arith.constant dense<0.000000e+00> : vector<1xf32>
    %reduce_sum3A_8 = vector.multi_reduction <add>, %reduce_sum3A, %reduce_sum3A_7 [1, 2] : vector<1x1x128xf32> to vector<1xf32>
    %reduce_sum3A_9 = vector.shape_cast %reduce_sum3A_8 : vector<1xf32> to vector<1x1x1xf32>
    %reduce_sum3A_10 = vector.extract %reduce_sum3A_9[0, 0, 0] : f32 from vector<1x1x1xf32>
    %get3A_11 = arith.constant 0 : index
    %get3A_12 = arith.constant 0 : index
    %get3A_13 = vector.load %arg0[%get3A_11, %get3A_12] : memref<10000x1xf32, #tpu.memory_space<vmem>>, vector<10000x1xf32>
    %add3A = vector.broadcast %reduce_sum3A_10 : f32 to vector<10000x1xf32>
    %add3A_14 = arith.addf %get3A_13, %add3A : vector<10000x1xf32>
    %swap3A = arith.constant 0 : index
    %swap3A_15 = arith.constant 0 : index
    %swap3A_16 = vector.load %arg3[%swap3A, %swap3A_15] : memref<10000x1xf32, #tpu.memory_space<vmem>>, vector<10000x1xf32>
    tpu.vector_store %arg3[%swap3A, %swap3A_15], %add3A_14 {strides = array<i32>} : memref<10000x1xf32, #tpu.memory_space<vmem>>, vector<10000x1xf32>,
    return
  }
}

</mosaic_0001>

<sc_bundles>
// kernel: kernel.5.cloned.1.call-start
scs
__scs_entry_jumppad:
0x0: {  	(pc) =	sbr.rel $0x88, $3  }
0x1: {  	(tag) =	ssettag $0x0;
	lr =	simm.s32 $0x1  }
0x2: {  	[smem:$0x3F97] =	sst lr;
	_ =	strace $0xD0000000  }
0x3: {  	_ = 	snop  }
0x4: {  	_ = 	snop  }
0x5: {  	_ = 	snop  }
0x6: {  	_ = 	snop  }
0x7: {  	_ = 	snop  }
__scs_overlays_trampoline_lowered:
0x8: {  	[smem:$0x3FA6] =	sst s0  }
0x9: {  	[smem:$0x3FA7] =	sst s1  }
0xa: {  	[smem:$0x3FA8] =	sst s2  }
0xb: {  	[smem:$0x3FA9] =	sst s3  }
0xc: {  	[smem:$0x3FAA] =	sst s4  }
0xd: {  	[smem:$0x3FAB] =	sst s5  }
0xe: {  	[smem:$0x3FAC] =	sst s6  }
0xf: {  	[smem:$0x3FAD] =	sst s7  }
0x10: {  	[smem:$0x3FAE] =	sst s8  }
0x11: {  	[smem:$0x3FAF] =	sst s9;
	s0 =	simm.s32 @!p0 $0x0  }
0x12: {  	s1 =	sld [smem:$0x3F95];
	s0 =	simm.s32 @p0 $0x1  }
0x13: {  	[smem:$0x3FB0] =	sst s0;
	s0 =	simm.s32 @!p1 $0x0  }
0x14: {  	s2 =	sld [smem:$0x3F94];
	s0 =	simm.s32 @p1 $0x1  }
0x15: {  	[smem:$0x3FB1] =	sst s0;
	s0 =	simm.s32 @!p2 $0x0  }
0x16: {  	s3 =	sld [smem:$0x3FDB];
	s0 =	simm.s32 @p2 $0x1  }
0x17: {  	s4 =	simm.s32 $0x1BF5;
	[smem:$0x3FB3] =	sst s0  }
0x18: {  	s0 =	sld [smem:$0x3F96];
	_ =	swait.ge [sflag:s4], $0x0  }
0x19: {  	s7 =	sld [smem:$0x3F97]  }
0x1a: {  	s8 =	sadd.s32 $0xFFFFE003, lr  }
0x1b: {  	s9 =	sadd.s32 $0xFFFFFEF7, lr;
	s5 =	simm.s32 $0xFFFFFFFF;
	p2 =	slt.u32 s8, $0xFFFFF086  }
0x1c: {  	p1 =	slt.u32 s9, $0xF7A;
	s5 =	simm.s32 @!p2 $0x0  }
0x1d: {  	s5 =	simm.s32 @p1 $0x1;
	p0 =	seq.s32 s7, s2  }
0x1e: {  	s7 =	smul.u32 @!p0 $0xF7A, s2;
	p2 =	seq.s32 @!p0 s5, $0x0  }
0x1f: {  	s9 =	smul.u32 $0xF7A, s1;
	s8 =	simm.s32 @!p0 $0x1BF5;
	p2 =	por !p2, p0  }
0x20: {  	[sflag:s8] =	ssyncset.s32 @!p0 $0xFFFFF086;
	s6 =	sadd.s32 @!p0 s3, s7;
	s7 =	simm.s32 @!p0 $0x108  }
0x21: {  	s3 =	sadd.s32 s3, s9;
	s6 =	sadd.s32 @!p0 $0x88, s6;
	s7 =	simm.s32 @p2 $0x1082  }
0x22: {  	[simem:s7], [sflag:s8] =	dma.local @!p0 [hbm:s6], $0xF7A  }
0x23: {  	s9 =	sor.u32 $0xD0000000, s2;
	s6 =	simm.s32 $0x108;
	_ =	swait.ge @!p0 [sflag:s8], $0x0  }
0x24: {  	s3 =	sadd.s32 $0x88, s3;
	s6 =	simm.s32 @!p1 $0x1082;
	[sflag:s4] =	ssyncset.s32 $0xFFFFF086  }
0x25: {  	[simem:s6], [sflag:s4] =	dma.local [hbm:s3], $0xF7A  }
0x26: {  	[smem:$0x3F97] =	sst s1;
	(tag) =	ssettag s2;
	_ =	strace s9  }
0x27: {  	s1 =	sld [smem:$0x3FA7]  }
0x28: {  	s2 =	sld [smem:$0x3FA8]  }
0x29: {  	s4 =	sld [smem:$0x3FAA]  }
0x2a: {  	p0 =	seq.s32 s5, $0x0;
	s5 =	sld [smem:$0x3FAB]  }
0x2b: {  	s6 =	sld [smem:$0x3FAC]  }
0x2c: {  	s7 =	sld [smem:$0x3FAD]  }
0x2d: {  	s3 =	simm.s32 $0x108;
	s8 =	sld [smem:$0x3FAE]  }
0x2e: {  	s3 =	simm.s32 @!p0 $0x1082;
	s9 =	sld [smem:$0x3FAF]  }
0x2f: {  	lr =	sadd.s32 s0, s3;
	s0 =	sld [smem:$0x3FA6]  }
0x30: {  	s3 =	sld [smem:$0x3FA9]  }
0x31: {  	[smem:$0x3FB2] =	sst s10  }
0x32: {  	s10 =	sld [smem:$0x3FB0];
	_ =	sdelay $0x3  }
0x33: {  	p0 =	seq.s32 s10, $0x1;
	s10 =	sld [smem:$0x3FB2];
	_ =	sdelay $0x3  }
0x34: {  	[smem:$0x3FB2] =	sst s10  }
0x35: {  	s10 =	sld [smem:$0x3FB1];
	_ =	sdelay $0x3  }
0x36: {  	p1 =	seq.s32 s10, $0x1;
	s10 =	sld [smem:$0x3FB2];
	_ =	sdelay $0x3  }
0x37: {  	[smem:$0x3FB2] =	sst s10  }
0x38: {  	s10 =	sld [smem:$0x3FB3]  }
0x39: {  	_ = 	snop;
	(pc) =	sbr.ind lr, $3  }
0x3a: {  	_ = 	snop  }
0x3b: {  	_ = 	snop  }
0x3c: {  	p2 =	seq.s32 s10, $0x1;
	s10 =	sld [smem:$0x3FB2]  }
0x3d: {  	_ =	shalt  }
0x3e: {  	_ =	shalt  }
0x3f: {  	_ =	shalt  }
0x40: {  	_ =	shalt  }
0x41: {  	_ =	shalt  }
0x42: {  	_ =	shalt  }
0x43: {  	_ =	shalt  }
0x44: {  	_ =	shalt  }
0x45: {  	_ =	shalt  }
0x46: {  	_ =	shalt  }
0x47: {  	_ =	shalt  }
0x48: {  	_ =	shalt  }
0x49: {  	_ =	shalt  }
0x4a: {  	_ =	shalt  }
0x4b: {  	_ =	shalt  }
0x4c: {  	_ =	shalt  }
0x4d: {  	_ =	shalt  }
0x4e: {  	_ =	shalt  }
0x4f: {  	_ =	shalt  }
0x50: {  	_ =	shalt  }
0x51: {  	_ =	shalt  }
0x52: {  	_ =	shalt  }
0x53: {  	_ =	shalt  }
0x54: {  	_ =	shalt  }
0x55: {  	_ =	shalt  }
0x56: {  	_ =	shalt  }
0x57: {  	_ =	shalt  }
0x58: {  	_ =	shalt  }
0x59: {  	_ =	shalt  }
0x5a: {  	_ =	shalt  }
0x5b: {  	_ =	shalt  }
0x5c: {  	_ =	shalt  }
0x5d: {  	_ =	shalt  }
0x5e: {  	_ =	shalt  }
0x5f: {  	_ =	shalt  }
0x60: {  	_ =	shalt  }
0x61: {  	_ =	shalt  }
0x62: {  	_ =	shalt  }
0x63: {  	_ =	shalt  }
0x64: {  	_ =	shalt  }
0x65: {  	_ =	shalt  }
0x66: {  	_ =	shalt  }
0x67: {  	_ =	shalt  }
0x68: {  	_ =	shalt  }
0x69: {  	_ =	shalt  }
0x6a: {  	_ =	shalt  }
0x6b: {  	_ =	shalt  }
0x6c: {  	_ =	shalt  }
0x6d: {  	_ =	shalt  }
0x6e: {  	_ =	shalt  }
0x6f: {  	_ =	shalt  }
0x70: {  	_ =	shalt  }
0x71: {  	_ =	shalt  }
0x72: {  	_ =	shalt  }
0x73: {  	_ =	shalt  }
0x74: {  	_ =	shalt  }
0x75: {  	_ =	shalt  }
0x76: {  	_ =	shalt  }
0x77: {  	_ =	shalt  }
0x78: {  	_ =	shalt  }
0x79: {  	_ =	shalt  }
0x7a: {  	_ =	shalt  }
0x7b: {  	_ =	shalt  }
0x7c: {  	_ =	shalt  }
0x7d: {  	_ =	shalt  }
0x7e: {  	_ =	shalt  }
0x7f: {  	_ =	shalt  }
0x80: {  	_ =	shalt  }
0x81: {  	_ =	shalt  }
0x82: {  	_ =	shalt  }
0x83: {  	_ =	shalt  }
0x84: {  	_ =	shalt  }
0x85: {  	_ =	shalt  }
0x86: {  	_ =	shalt  }
0x87: {  	_ =	shalt  }
.Lfunc_end0:
.L_simem_size_0:
called_computation_lowered:
.L_overlay_start_0:
0x88: {  	s2 =	sld [smem:$0x3FD9]  }
0x89: {  	s3 =	sld [smem:$0x3FFE];
	_ =	sdelay $0x1  }
0x8a: {  	s1 =	srdreg.scid  }
0x8b: {  	s0 =	sand.u32 $0x1, s1  }
0x8c: {  	s16 =	sshll.u32 s0, $0xA;
	s2 =	sadd.s32 s3, s2  }
0x8d: {  	s2 =	sadd.s32 s2, s16  }
0x8e: {  	[smem:$0x3FBE] =	sst s2  }
0x8f: {  	_ = 	snop  }
0x90: {  	(tm) =	ssettm $0x1  }
0x91: {  	s17 =	sld [smem:$0x3FFB];
	_ =	sdelay $0x3  }
0x92: {  	_ =	strace s17  }
0x93: {  	s2 =	sld [smem:$0x3FFC];
	_ =	sdelay $0x3  }
0x94: {  	_ =	strace s2  }
0x95: {  	s2 =	sld [smem:$0x3FFD];
	_ =	sdelay $0x3  }
0x96: {  	_ =	strace s2  }
0x97: {  	_ =	strace $0x8FFFFFFF  }
0x98: {  	s18 =	sld [smem:$0x3FDB];
	_ =	sdelay $0x1  }
0x99: {  	s19 =	simm.s32 $_scs_section_size  }
0x9a: {  	s4 =	simm.s32 $_size__tile_overlayer_lowered;
	s5 =	simm.s32 $_tile_overlayer_lowered  }
0x9b: {  	s22 =	simm.s32 $0x1BFF;
	s21 =	sshll.u32 s5, $0x1;
	s2 =	sadd.s32 s19, s18  }
0x9c: {  	s6 =	simm.s32 $0x0;
	s20 =	sshll.u32 s4, $0x1;
	s4 =	sadd.s32 s21, s2  }
0x9d: {  	[timem:s6], [sflag:s22] =	dma.local [hbm:s4], s20  }
0x9e: {  	_ =	swait.ge [sflag:s22], s20  }
0x9f: {  	s3 =	ssub.s32 $0x0, s20;
	[sflag:s22] =	ssyncset.done $0x0  }
0xa0: {  	[sflag:s22] =	ssyncadd.s32 s3;
	_ =	sdelay $0x1  }
0xa1: {  	s23 =	simm.s32 $0x1B8B  }
0xa2: {  	_ =	swait.ge [sflag:s23], $0x1  }
0xa3: {  	[sflag:s23] =	ssyncset.done $0x0  }
0xa4: {  	s25 =	simm.s32 $0x1B8E;
	s24 =	sld [smem:$0x3FFE];
	[sflag:s23] =	ssyncadd.s32 $0xFFFFFFFF  }
0xa5: {  	s26 =	simm.s32 $execute0_lowered;
	[smem:$0x3FD2] =	sst s25  }
0xa6: {  	s4 =	sshll.u32 s26, $0x1;
	_ =	strace $0x80000046;
	[dreg:$0x1] =	wrdreg $0xFFFFFFFF  }
0xa7: {  	s28 =	simm.s32 $_size_execute0_lowered;
	s2 =	sadd.s32 s2, s4;
	[dreg:$0x0] =	wrdreg $0x0  }
0xa8: {  	s4 =	sshll.u32 s28, $0x1;
	[dreg:$0x2] =	wrdreg s2  }
0xa9: {  	[dreg:$0x3] =	wrdreg s4  }
0xaa: {  	[dreg:$0x4] =	wrdreg $0xC0  }
0xab: {  	_ =	task [dreg:s6], $0x5FFFF  }
0xac: {  	[dreg:$0x1] =	wrdreg $0xFFFFFFFF  }
0xad: {  	[dreg:$0x0] =	wrdreg $0x60  }
0xae: {  	[dreg:$0x2] =	wrdreg s24  }
0xaf: {  	[dreg:$0x3] =	wrdreg $0xCE800  }
0xb0: {  	[dreg:$0x4] =	wrdreg $0x9  }
0xb1: {  	_ =	task.clear_ibuf [dreg:s6], $0x5FFFF;
	_ =	strace $0x90000046  }
0xb2: {  	s29 =	simm.s32 $0x9;
	_ =	strace $0x80000048  }
0xb3: {  	_ =	swait.ge [sflag:s29], $0x1  }
0xb4: {  	[sflag:s29] =	ssyncadd.s32 $0xFFFFFFFF  }
0xb5: {  	_ =	strace $0x90000048  }
0xb6: {  	_ =	sfence  }
0xb7: {  	s30 =	sld [smem:$0x0];
	_ =	sdelay $0x2  }
0xb8: {  	s31 =	sshll.u32 s1, $0xD;
	s1 =	sshrl.u32 s1, $0x2  }
0xb9: {  	s3 =	sand.u32 $0x4000, s31;
	s1 =	sadd.s32 s1, s30  }
0xba: {  	s0 =	sor.u32 s3, s0;
	s1 =	sshll.u32 s1, $0x11  }
0xbb: {  	s0 =	sor.u32 s1, s0  }
0xbc: {  	s0 =	sadd.s32 $0x8F2B, s0  }
0xbd: {  	[sflag:s0] =	ssyncadd.remote.s32 $0x1  }
0xbe: {  	_ =	sfence.sel $0xFFFF  }
0xbf: {  	[dreg:$0x0] =	wrdreg $0xFFFFFFFF;
	(pc) =	sbr.abs _section_cstart, $3  }
0xc0: {  	[dreg:$0x1] =	wrdreg $0xFFFFFFFF  }
0xc1: {  	_ =	task.clear_ibuf [dreg:s6], $0x2FFFF;
	_ =	strace $0x9FFFFFFF  }
0xc2: {  	(tm) =	ssettm $0x7FFFFFFF  }
0xc3: {  	_ =	shalt  }
tec
execute0_lowered:
.L_overlay_start_1:
0x0: {  	(tag) =	ssettag $0x1  }
0x1: {  	s4 =	rddreg [dreg:$0x0]  }
0x2: {  	s0 =	srdreg.scid;
	s6 =	rddreg [dreg:$0x1]  }
0x3: {  	s2 =	simm.s32 $0x0;
	s12 =	simm.s32 $0x80;
	s13 =	simm.s32 $0x400  }
0x4: {  	s14 =	simm.s32 $0xC700;
	s15 =	simm.s32 $0x100;
	s3 =	sand.u32 $0x1, s0  }
0x5: {  	s0 =	stileid.u32;
	[smem:$0x7FF] =	sst s2;
	s1 =	sshll.u32 s3, $0x4  }
0x6: {  	s7 =	smul.u32 $0xF00, s0;
	s8 =	sshll.u32 s3, $0x7;
	s3 =	ssub.s32 $0x2, s3  }
0x7: {  	s30 =	sshrl.u32 s0, $0x3;
	s31 =	smul.u32 $0xF000, s0;
	s10 =	sshll.u32 s0, $0x7  }
0x8: {  	s5 =	sor.u32 s0, s1;
	s1 =	rddreg [dreg:$0x2];
	_ =	strace $0x80000047  }
0x9: {  	s9 =	sshrl.u32 s3, $0x1;
	s10 =	sand.u32 $0x380, s10;
	s5 =	smul.u32 $0x4E2, s5  }
0xa: {  	s7 =	sor.u32 s8, s7;
	s8 =	smul.u32 $0xF0000, s30;
	s9 =	ssub.s32 s3, s9  }
0xb: {  	s11 =	sshrl.u32 s31, $0x2;
	s7 =	sshrl.u32 s7, $0x3;
	s5 =	sadd.s32 s5, s4  }
0xc: {  	s7 =	sadd.s32 s7, s4;
	s8 =	sshrl.u32 s8, $0x2;
	s3 =	sadd.s32 $0x1000, s5  }
0xd: {  	s8 =	sadd.s32 s8, s6;
	s4 =	sadd.s32 $0xAE00, s5;
	s6 =	sadd.s32 s11, s6  }
0xe: {  	s7 =	sadd.s32 $0x14C00, s7;
	s11 =	simm.s32 $0x4F00;
	s5 =	sadd.s32 s10, s8  }
0xf: {  	v0 =	vimm.f32 $0.0e+00;
	v1 =	vimm.f32 $1.000000000e+00;
	s8 =	smax.u32 s9, $0x1;
	s9 =	simm.s32 $0x1;
	s10 =	simm.s32 $0x2780  }
.LBB2_1:
0x10: {  	s16 =	simm.s32 $0x40;
	s17 =	simm.s32 $0x0  }
.LBB2_2:
0x11: {  	p0 =	sne.s32 s16, $0x1DFC0;
	[tilespmem:s17+$0x4F00] =	vst v0;
	s17 =	smov.u32 s16;
	s16 =	sadd.s32 $0x40, s16  }
.Ltmp0:
0x12: {  	(pc) =	sbr.rel @p0 .LBB2_2-.Ltmp0, $2  }
0x13: {  	_ =	sdelay $0x2  }
0x14: {  	s17 =	sshra.s32 s17, $0x2  }
0x15: {  	[tilespmem:s17+$0x4F00] =	vst v0;
	s16 =	simm.s32 $0x0  }
0x16: {  	[tilespmem:s16], [sflag:$0x1] =	stream.linear.gather [hbm4b:s3+s16], $0x2710, $0x38;
	[tilespmem:$0x14680] =	vst v63  }
0x17: {  	_ =	swait.ge [sflag:s9], $0x2710  }
0x18: {  	[sflag:s9] =	ssyncset.done $0x0  }
0x19: {  	[sflag:s9] =	ssyncadd.s32 $0xFFFFD8F0  }
0x1a: {  	[tilespmem:s10], [sflag:$0x1] =	stream.linear.gather [hbm4b:s4+s16], $0x2710, $0x38;
	[tilespmem:$0x14680] =	vst v63  }
0x1b: {  	_ =	swait.ge [sflag:s9], $0x2710  }
0x1c: {  	[sflag:s9] =	ssyncset.done $0x0  }
0x1d: {  	s31 =	simm.s32 $0x0;
	[sflag:s9] =	ssyncadd.s32 $0xFFFFD8F0  }
0x1e: {  	v2 =	vld [tilespmem:s31+$0x0];
	_ =	sdelay $0x3  }
0x1f: {  	v3 =	vld [tilespmem:s31+$0x2780];
	_ =	sdelay $0x1  }
0x20: {  	v4 =	vadd.s32 $0x2800, v2;
	_ =	sdelay $0x1  }
0x21: {  	[tilespmem:v2+s11+$0x0] =	vst.idx.add.f32.msk $0xffff, v1;
	v2 =	vadd.s32 $0x5000, v2  }
0x22: {  	v5 =	vsub.f32 $0.0e+00, v3  }
0x23: {  	v3 =	vmax.f32 v3, $0.0e+00  }
0x24: {  	s17 =	simm.s32 $0x80;
	s16 =	simm.s32 $0x40;
	[tilespmem:v4+s11+$0x0] =	vst.idx.add.f32.msk $0xffff, v3;
	v3 =	vmax.f32 v5, $0.0e+00  }
.LBB2_4:
0x25: {  	p0 =	sne.s32 s17, $0x9C00  }
0x26: {  	s18 =	sshra.s32 s16, $0x2;
	[tilespmem:v2+s11+$0x0] =	vst.idx.add.f32.msk $0xffff, v3;
	s16 =	smov.u32 s17;
	s17 =	sadd.s32 $0x40, s17  }
0x27: {  	v3 =	vld [tilespmem:s18+$0x0];
	_ =	sdelay $0x2  }
0x28: {  	v4 =	vld [tilespmem:s18+$0x2780];
	_ =	sdelay $0x1  }
0x29: {  	v5 =	vadd.s32 $0x2800, v3  }
.Ltmp1:
0x2a: {  	v2 =	vadd.s32 $0x5000, v3;
	(pc) =	sbr.rel @p0 .LBB2_4-.Ltmp1, $4  }
0x2b: {  	_ = 	snop  }
0x2c: {  	v6 =	vsub.f32 $0.0e+00, v4  }
0x2d: {  	[tilespmem:v3+s11+$0x0] =	vst.idx.add.f32.msk $0xffff, v1;
	v3 =	vmax.f32 v4, $0.0e+00  }
0x2e: {  	[tilespmem:v5+s11+$0x0] =	vst.idx.add.f32.msk $0xffff, v3;
	v3 =	vmax.f32 v6, $0.0e+00  }
0x2f: {  	_ =	sdelay $0x3  }
0x30: {  	s16 =	sshra.s32 s16, $0x2;
	[tilespmem:v2+s11+$0x0] =	vst.idx.add.f32.msk $0xffff, v3  }
0x31: {  	v2 =	vld [tilespmem:s16+$0x0];
	_ =	sdelay $0x2  }
0x32: {  	v3 =	vld [tilespmem:s16+$0x2780];
	_ =	sdelay $0x1  }
0x33: {  	v4 =	vadd.s32 $0x2800, v2  }
0x34: {  	v5 =	vadd.s32 $0x5000, v2;
	_ =	sdelay $0x1  }
0x35: {  	v6 =	vsub.f32 $0.0e+00, v3  }
0x36: {  	[tilespmem:v2+s11+$0x0] =	vst.idx.add.f32.msk $0xffff, v1;
	v2 =	vmax.f32 v3, $0.0e+00  }
0x37: {  	[tilespmem:v4+s11+$0x0] =	vst.idx.add.f32.msk $0xffff, v2;
	v2 =	vmax.f32 v6, $0.0e+00  }
0x38: {  	s16 =	simm.s32 $0x1;
	[tilespmem:v5+s11+$0x0] =	vst.idx.add.f32.msk $0xffff, v2  }
0x39: {  	[spmem:s5] =	stream.strided.scatter [tilespmem:s11], [sflag:$0x1], $0x7800, s13, s12, $0x38;
	[tilespmem:$0x14680] =	vst v63  }
0x3a: {  	_ =	swait.ge [sflag:s16], $0x7800  }
0x3b: {  	[sflag:s16] =	ssyncset.done $0x0  }
0x3c: {  	[sflag:s16] =	ssyncadd.s32 $0xFFFF8800  }
0x3d: {  	[bflag:$0x0] =	sbarrier.arrive $0xFFFF  }
0x3e: {  	[tilespmem:s14], [sflag:$0x1] =	stream.strided.gather [spmem:s6], $0x780, s13, s12, $0x38;
	[tilespmem:$0x14680] =	vst v63  }
0x3f: {  	_ =	swait.ge [sflag:s16], $0x780  }
0x40: {  	[sflag:s16] =	ssyncset.done $0x0  }
0x41: {  	[sflag:s16] =	ssyncadd.s32 $0xFFFFF880  }
.LBB2_6:
0x42: {  	s17 =	sshrl.u32 s16, $0x3  }
0x43: {  	s17 =	smul.u32 $0xF0000, s17;
	_ =	sdelay $0x1  }
0x44: {  	s18 =	sshll.u32 s16, $0x7;
	s17 =	sshra.s32 s17, $0x2  }
0x45: {  	s18 =	sand.u32 $0x380, s18;
	s17 =	sadd.s32 s17, s6  }
0x46: {  	s17 =	sadd.s32 s18, s17  }
0x47: {  	[tilespmem:s11], [sflag:$0x1] =	stream.strided.gather [spmem:s17], $0x780, s13, s12, $0x38;
	[tilespmem:$0x14680] =	vst v63  }
0x48: {  	_ =	swait.ge [sflag:s9], $0x780  }
0x49: {  	[sflag:s9] =	ssyncset.done $0x0  }
0x4a: {  	s17 =	simm.s32 $0x0;
	[sflag:s9] =	ssyncadd.s32 $0xFFFFF880  }
0x4b: {  	s18 =	simm.s32 $0x40;
	v2 =	vld [tilespmem:s17+$0x4F00]  }
.LBB2_7:
0x4c: {  	p0 =	sne.s32 s18, $0x1DC0;
	v3 =	vld [tilespmem:s17+$0xC700];
	_ =	sdelay $0x2  }
.Ltmp2:
0x4d: {  	(pc) =	sbr.rel @p0 .LBB2_7-.Ltmp2, $4  }
0x4e: {  	_ = 	snop  }
0x4f: {  	v3 =	vadd.f32 v2, v3  }
0x50: {  	s19 =	sshra.s32 s18, $0x2  }
0x51: {  	s18 =	sadd.s32 $0x40, s18;
	v2 =	vld [tilespmem:s19+$0x4F00];
	[tilespmem:s17+$0xC700] =	vst v3;
	s17 =	smov.u32 s19  }
0x52: {  	v3 =	vld [tilespmem:s17+$0xC700]  }
0x53: {  	s16 =	sadd.s32 $0x1, s16  }
0x54: {  	p0 =	sne.s32 s16, $0x10  }
.Ltmp3:
0x55: {  	_ = 	snop;
	(pc) =	sbr.rel @p0 .LBB2_6-.Ltmp3, $3  }
0x56: {  	_ = 	snop  }
0x57: {  	v2 =	vadd.f32 v2, v3;
	_ =	sdelay $0x1  }
0x58: {  	[tilespmem:s17+$0xC700] =	vst v2  }
0x59: {  	s2 =	sadd.s32 $0x1, s2  }
0x5a: {  	p0 =	sne.s32 s2, s8  }
.Ltmp4:
0x5b: {  	_ = 	snop;
	(pc) =	sbr.rel @p0 .LBB2_1-.Ltmp4, $4  }
0x5c: {  	[hbm4b:s7+s12] =	stream.strided.scatter [tilespmem:s14], [sflag:$0x1], $0x780, s15, s12, $0x38;
	[tilespmem:$0x14680] =	vst v63  }
0x5d: {  	_ =	swait.ge [sflag:s9], $0x780  }
0x5e: {  	[sflag:s9] =	ssyncset.done $0x0  }
0x5f: {  	[sflag:s9] =	ssyncadd.s32 $0xFFFFF880  }
0x60: {  	_ =	sfence.sel $0x180000  }
0x61: {  	[bflag:$0x0] =	sbarrier.arrive $0xFFFF  }
0x62: {  	p0 =	sne.s32 s0, $0x0;
	_ =	strace $0x90000047  }
0x63: {  	s0 =	sadd.s32 @!p0 $0x100000, s1;
	[bflag:$0x2] =	sbarrier.arrive $0xFFFF  }
0x64: {  	[sflag:s0] =	ssyncadd.tile.s32 @!p0 $0x1;
	_ =	shalt  }
.Lfunc_end2:
_tile_overlayer_lowered:
.L_overlay_start_2:
0x65: {  	(tag) =	ssettag $0x2  }
0x66: {  	s0 =	rddreg [dreg:$0x0];
	s2 =	stileid.u32  }
0x67: {  	s1 =	rddreg [dreg:$0x1];
	p0 =	sne.s32 s2, $0x0  }
0x68: {  	s3 =	rddreg [dreg:$0x2];
	[bflag:$0x3] =	sbarrier.arrive $0xFFFF;
	s2 =	simm.s32 @!p0 $0x1C01  }
0x69: {  	[timem:s3], [sflag:s2] =	dma.local @!p0 [hbm:s0], s1  }
0x6a: {  	s0 =	simm.s32 @!p0 $0x1  }
0x6b: {  	_ =	swait.ge @!p0 [sflag:s0], s1  }
0x6c: {  	s1 =	ssub.s32 @!p0 $0x0, s1;
	[sflag:s0] =	ssyncset.done @!p0 $0x0  }
0x6d: {  	[sflag:s0] =	ssyncadd.s32 @!p0 s1  }
0x6e: {  	[bflag:$0x3] =	sbarrier.arrive $0xFFFF  }
0x6f: {  	_ =	shalt  }

</sc_bundles>
